<compile_context>
chip_gen: v7x
topology: tpu7x:2x2x1
jax: 0.10.2.dev20260603
libtpu: 0.0.44.dev20260713+nightly
codegen_flags: <defaults>
</compile_context>

<pallas_src>
import functools

import jax
import jax.numpy as jnp
from jax import lax
from jax.experimental import pallas as pl
from jax.experimental.pallas import tpu as pltpu
from jax.experimental.pallas import tpu_sc as plsc

D = 128
NC = 2
NS = 16
NW = NC * NS
NB = 6


def _make_gather(batch, seq):
    assert batch % NW == 0
    bpw = batch // NW
    nchunks = seq
    full_groups = nchunks // NB
    rem = nchunks % NB

    mesh = plsc.VectorSubcoreMesh(core_axis_name="c", subcore_axis_name="s")

    @functools.partial(
        pl.kernel,
        mesh=mesh,
        out_type=jax.ShapeDtypeStruct((seq, batch, D), jnp.float32),
        scratch_types=(
            [pltpu.VMEM((seq, bpw), jnp.int32)]
            + [pltpu.VMEM((bpw, D), jnp.float32)] * NB
            + [pltpu.SemaphoreType.DMA] * (2 * NB)
        ),
    )
    def gather_kernel(idx_hbm, table_hbm, out_hbm, idx_v, *bufs_sems):
        bufs = bufs_sems[:NB]
        gs = bufs_sems[NB:2 * NB]
        ws = bufs_sems[2 * NB:]
        wid = lax.axis_index("s") * NC + lax.axis_index("c")
        col_base = wid * bpw

        def gather_start(c, buf, sem):
            pltpu.async_copy(table_hbm.at[idx_v.at[c]], buf, sem)

        def gather_wait(buf, sem):
            pltpu.make_async_copy(
                table_hbm.at[idx_v.at[0]], buf, sem).wait()

        def write_start(c, buf, sem):
            pltpu.async_copy(buf, out_hbm.at[c, pl.ds(col_base, bpw)], sem)

        def write_wait(buf, sem):
            pltpu.make_async_copy(
                buf, out_hbm.at[0, pl.ds(col_base, bpw)], sem).wait()

        assert NB - 1 <= 8 < seq
        pltpu.sync_copy(idx_hbm.at[pl.ds(0, 8), pl.ds(col_base, bpw)],
                        idx_v.at[pl.ds(0, 8)])

        for k in range(NB - 1):
            gather_start(k, bufs[k], gs[k])
        pltpu.sync_copy(idx_hbm.at[pl.ds(8, seq - 8), pl.ds(col_base, bpw)],
                        idx_v.at[pl.ds(8, seq - 8)])

        def body(i, carry):
            for k in range(NB):
                c = NB * i + k
                gather_wait(bufs[k], gs[k])
                write_start(c, bufs[k], ws[k])
                kk = (k + NB - 1) % NB

                def refill(c=c, kk=kk):
                    write_wait(bufs[kk], ws[kk])
                    gather_start(c + NB - 1, bufs[kk], gs[kk])

                if k == 0:
                    pl.when(i > 0)(refill)
                    pl.when(i == 0)(
                        lambda: gather_start(NB - 1, bufs[NB - 1], gs[NB - 1]))
                else:
                    pl.when(c + NB - 1 < nchunks)(refill)
            return carry

        lax.fori_loop(0, full_groups, body, 0)
        for k in range(rem):
            c = NB * full_groups + k
            gather_wait(bufs[k], gs[k])
            write_start(c, bufs[k], ws[k])
        for k in range(NB):
            write_wait(bufs[k], ws[k])

    return gather_kernel


def kernel(input, weight):
    batch, seq = input.shape
    idx_t = input.astype(jnp.int32).T
    out_t = _make_gather(batch, seq)(idx_t, weight)
    return jnp.transpose(out_t, (1, 0, 2))

# --- scband reference (transcript-rebuilt; emitter-appended) ---
"""Pipeline reference for scband-lookup-embedding-37555194036618 (READ-ONLY COPY).

The authoritative reference and input builder live on the scoring server;
editing this copy changes nothing except your own understanding.
"""

import jax, jax.numpy as jnp
import numpy as np

NUM_EMBEDDINGS = 100000
EMBEDDING_DIM = 128

def setup_inputs(seed: int = 0) -> dict:
    key = jax.random.key(seed)
    k_idx, k_w = jax.random.split(key)
    input = jax.random.randint(k_idx, (4096, 26), 0, NUM_EMBEDDINGS, dtype=jnp.int64 if jax.config.jax_enable_x64 else jnp.int32)
    # Euclidean manifold random_normal(mean=0, std=0.01) == gaussian init
    weight = jax.random.normal(k_w, (NUM_EMBEDDINGS, EMBEDDING_DIM), dtype=jnp.float32) * 0.01
    return {"input": input, "weight": weight}

def reference(input, weight):
    # shape = list(input.shape) + list(weight.shape[1:]); index_select on flattened indices, then reshape
    flat = input.reshape(-1)
    gathered = jnp.take(weight, flat, axis=0)
    out_shape = tuple(input.shape) + tuple(weight.shape[1:])
    return gathered.reshape(out_shape)

if __name__ == "__main__":
    import jax
    _d = setup_inputs()
    print(jax.jit(kernel)(*tuple(_d.values())))

</pallas_src>

<mosaic_0001>
#map = affine_map<(d0, d1) -> (0, 0)>
#map1 = affine_map<(d0, d1) -> (0, 0, 0)>
module attributes {stable_mosaic.version = 14 : i64} {
  func.func @gather_kernel(%arg0: i32, %arg1: i32, %arg2: memref<26x4096xi32, #tpu.memory_space<hbm>>, %arg3: memref<100000x128xf32, #tpu.memory_space<hbm>>, %arg4: memref<26x4096x128xf32, #tpu.memory_space<hbm>>, %arg5: memref<26x128xi32, #tpu.memory_space<vmem>>, %arg6: memref<128x128xf32, #tpu.memory_space<vmem>>, %arg7: memref<128x128xf32, #tpu.memory_space<vmem>>, %arg8: memref<128x128xf32, #tpu.memory_space<vmem>>, %arg9: memref<128x128xf32, #tpu.memory_space<vmem>>, %arg10: memref<128x128xf32, #tpu.memory_space<vmem>>, %arg11: memref<128x128xf32, #tpu.memory_space<vmem>>, %arg12: memref<!tpu.dma_semaphore, #tpu.memory_space<semaphore_mem>>, %arg13: memref<!tpu.dma_semaphore, #tpu.memory_space<semaphore_mem>>, %arg14: memref<!tpu.dma_semaphore, #tpu.memory_space<semaphore_mem>>, %arg15: memref<!tpu.dma_semaphore, #tpu.memory_space<semaphore_mem>>, %arg16: memref<!tpu.dma_semaphore, #tpu.memory_space<semaphore_mem>>, %arg17: memref<!tpu.dma_semaphore, #tpu.memory_space<semaphore_mem>>, %arg18: memref<!tpu.dma_semaphore, #tpu.memory_space<semaphore_mem>>, %arg19: memref<!tpu.dma_semaphore, #tpu.memory_space<semaphore_mem>>, %arg20: memref<!tpu.dma_semaphore, #tpu.memory_space<semaphore_mem>>, %arg21: memref<!tpu.dma_semaphore, #tpu.memory_space<semaphore_mem>>, %arg22: memref<!tpu.dma_semaphore, #tpu.memory_space<semaphore_mem>>, %arg23: memref<!tpu.dma_semaphore, #tpu.memory_space<semaphore_mem>>) attributes {dimension_semantics = [#tpu.dimension_semantics<core_parallel>, #tpu.dimension_semantics<subcore_parallel>], iteration_bounds = array<i64: 2, 16>, scalar_prefetch = 0 : i64, scratch_operands = 19 : i64, tpu.core_type = #tpu.core_type<sc_vector_subcore>, window_params = [{transform_indices = #map}, {transform_indices = #map}, {transform_indices = #map1}]} {
    %mul3A = arith.constant 2 : i32
    %mul3A_0 = arith.muli %arg1, %mul3A : i32
    %add3A = arith.addi %mul3A_0, %arg0 : i32
    %mul3A_1 = arith.constant 128 : i32
    %mul3A_2 = arith.muli %add3A, %mul3A_1 : i32
    "tpu.region"() ({
      %run_scoped3A = tpu.sem_alloc : memref<!tpu.dma_semaphore, #tpu.memory_space<semaphore_mem>>
      %dma_start3A_111 = arith.constant 0 : i32
      %dma_start3A_112 = arith.constant 0 : i32
      %dma_start3A_113 = tpu.memref_slice %arg5[%dma_start3A_111, %dma_start3A_112] : memref<26x128xi32, #tpu.memory_space<vmem>> -> memref<8x128xi32, #tpu.memory_space<vmem>>
      %dma_start3A_114 = arith.constant 0 : i32
      %dma_start3A_115 = tpu.memref_slice %arg2[%dma_start3A_114, %mul3A_2] : memref<26x4096xi32, #tpu.memory_space<hbm>> -> memref<8x128xi32, #tpu.memory_space<hbm>>
      %dma_start3A_116 = arith.constant 0 : i32
      %dma_start3A_117 = arith.constant 0 : i32
      %dma_start3A_118 = tpu.memref_slice %arg5[%dma_start3A_116, %dma_start3A_117] : memref<26x128xi32, #tpu.memory_space<vmem>> -> memref<8x128xi32, #tpu.memory_space<vmem>>
      %dma_start3A_119 = arith.constant 0 : i32
      %dma_start3A_120 = tpu.memref_slice %arg2[%dma_start3A_119, %mul3A_2] : memref<26x4096xi32, #tpu.memory_space<hbm>> -> memref<8x128xi32, #tpu.memory_space<hbm>>
      tpu.enqueue_dma source(%dma_start3A_120 : memref<8x128xi32, #tpu.memory_space<hbm>>) target(%dma_start3A_118 : memref<8x128xi32, #tpu.memory_space<vmem>>) target_semaphore(%run_scoped3A : memref<!tpu.dma_semaphore, #tpu.memory_space<semaphore_mem>>)
      %dma_wait3A_121 = arith.constant 0 : i32
      %dma_wait3A_122 = arith.constant 0 : i32
      %dma_wait3A_123 = tpu.memref_slice %arg5[%dma_wait3A_121, %dma_wait3A_122] : memref<26x128xi32, #tpu.memory_space<vmem>> -> memref<8x128xi32, #tpu.memory_space<vmem>>
      %dma_wait3A_124 = arith.constant 0 : i32
      %dma_wait3A_125 = tpu.memref_slice %arg2[%dma_wait3A_124, %mul3A_2] : memref<26x4096xi32, #tpu.memory_space<hbm>> -> memref<8x128xi32, #tpu.memory_space<hbm>>
      %dma_wait3A_126 = arith.constant 0 : i32
      %dma_wait3A_127 = arith.constant 0 : i32
      %dma_wait3A_128 = tpu.memref_slice %arg5[%dma_wait3A_126, %dma_wait3A_127] : memref<26x128xi32, #tpu.memory_space<vmem>> -> memref<8x128xi32, #tpu.memory_space<vmem>>
      %dma_wait3A_129 = arith.constant 0 : i32
      %dma_wait3A_130 = tpu.memref_slice %arg2[%dma_wait3A_129, %mul3A_2] : memref<26x4096xi32, #tpu.memory_space<hbm>> -> memref<8x128xi32, #tpu.memory_space<hbm>>
      tpu.wait_dma2 semaphore(%run_scoped3A : memref<!tpu.dma_semaphore, #tpu.memory_space<semaphore_mem>>) src(%dma_wait3A_130 : memref<8x128xi32, #tpu.memory_space<hbm>>) dst(%dma_wait3A_128 : memref<8x128xi32, #tpu.memory_space<vmem>>)
      tpu.yield
    }) : () -> ()
    %dma_start3A = arith.constant 0 : i32
    %dma_start3A_3 = arith.constant 0 : i32
    %dma_start3A_4 = tpu.memref_slice %arg5[%dma_start3A, %dma_start3A_3] : memref<26x128xi32, #tpu.memory_space<vmem>> -> memref<1x128xi32, #tpu.memory_space<vmem>>
    %dma_start3A_5 = tpu.memref_squeeze %dma_start3A_4 : memref<1x128xi32, #tpu.memory_space<vmem>> -> memref<128xi32, #tpu.memory_space<vmem>>
    %dma_start3A_6 = arith.constant 0 : i32
    %dma_start3A_7 = arith.constant 0 : i32
    %dma_start3A_8 = tpu.memref_slice %arg3[%dma_start3A_6, %dma_start3A_7] : memref<100000x128xf32, #tpu.memory_space<hbm>> -> memref<100000x128xf32, #tpu.memory_space<hbm>>
    tpu.enqueue_indirect_dma source(%dma_start3A_8 : memref<100000x128xf32, #tpu.memory_space<hbm>>) target(%arg6 : memref<128x128xf32, #tpu.memory_space<vmem>>) offsets(%dma_start3A_5 : memref<128xi32, #tpu.memory_space<vmem>>) semaphore(%arg12 : memref<!tpu.dma_semaphore, #tpu.memory_space<semaphore_mem>>)
    %dma_start3A_9 = arith.constant 1 : i32
    %dma_start3A_10 = arith.constant 0 : i32
    %dma_start3A_11 = tpu.memref_slice %arg5[%dma_start3A_9, %dma_start3A_10] : memref<26x128xi32, #tpu.memory_space<vmem>> -> memref<1x128xi32, #tpu.memory_space<vmem>>
    %dma_start3A_12 = tpu.memref_squeeze %dma_start3A_11 : memref<1x128xi32, #tpu.memory_space<vmem>> -> memref<128xi32, #tpu.memory_space<vmem>>
    %dma_start3A_13 = arith.constant 0 : i32
    %dma_start3A_14 = arith.constant 0 : i32
    %dma_start3A_15 = tpu.memref_slice %arg3[%dma_start3A_13, %dma_start3A_14] : memref<100000x128xf32, #tpu.memory_space<hbm>> -> memref<100000x128xf32, #tpu.memory_space<hbm>>
    tpu.enqueue_indirect_dma source(%dma_start3A_15 : memref<100000x128xf32, #tpu.memory_space<hbm>>) target(%arg7 : memref<128x128xf32, #tpu.memory_space<vmem>>) offsets(%dma_start3A_12 : memref<128xi32, #tpu.memory_space<vmem>>) semaphore(%arg13 : memref<!tpu.dma_semaphore, #tpu.memory_space<semaphore_mem>>)
    %dma_start3A_16 = arith.constant 2 : i32
    %dma_start3A_17 = arith.constant 0 : i32
    %dma_start3A_18 = tpu.memref_slice %arg5[%dma_start3A_16, %dma_start3A_17] : memref<26x128xi32, #tpu.memory_space<vmem>> -> memref<1x128xi32, #tpu.memory_space<vmem>>
    %dma_start3A_19 = tpu.memref_squeeze %dma_start3A_18 : memref<1x128xi32, #tpu.memory_space<vmem>> -> memref<128xi32, #tpu.memory_space<vmem>>
    %dma_start3A_20 = arith.constant 0 : i32
    %dma_start3A_21 = arith.constant 0 : i32
    %dma_start3A_22 = tpu.memref_slice %arg3[%dma_start3A_20, %dma_start3A_21] : memref<100000x128xf32, #tpu.memory_space<hbm>> -> memref<100000x128xf32, #tpu.memory_space<hbm>>
    tpu.enqueue_indirect_dma source(%dma_start3A_22 : memref<100000x128xf32, #tpu.memory_space<hbm>>) target(%arg8 : memref<128x128xf32, #tpu.memory_space<vmem>>) offsets(%dma_start3A_19 : memref<128xi32, #tpu.memory_space<vmem>>) semaphore(%arg14 : memref<!tpu.dma_semaphore, #tpu.memory_space<semaphore_mem>>)
    %dma_start3A_23 = arith.constant 3 : i32
    %dma_start3A_24 = arith.constant 0 : i32
    %dma_start3A_25 = tpu.memref_slice %arg5[%dma_start3A_23, %dma_start3A_24] : memref<26x128xi32, #tpu.memory_space<vmem>> -> memref<1x128xi32, #tpu.memory_space<vmem>>
    %dma_start3A_26 = tpu.memref_squeeze %dma_start3A_25 : memref<1x128xi32, #tpu.memory_space<vmem>> -> memref<128xi32, #tpu.memory_space<vmem>>
    %dma_start3A_27 = arith.constant 0 : i32
    %dma_start3A_28 = arith.constant 0 : i32
    %dma_start3A_29 = tpu.memref_slice %arg3[%dma_start3A_27, %dma_start3A_28] : memref<100000x128xf32, #tpu.memory_space<hbm>> -> memref<100000x128xf32, #tpu.memory_space<hbm>>
    tpu.enqueue_indirect_dma source(%dma_start3A_29 : memref<100000x128xf32, #tpu.memory_space<hbm>>) target(%arg9 : memref<128x128xf32, #tpu.memory_space<vmem>>) offsets(%dma_start3A_26 : memref<128xi32, #tpu.memory_space<vmem>>) semaphore(%arg15 : memref<!tpu.dma_semaphore, #tpu.memory_space<semaphore_mem>>)
    %dma_start3A_30 = arith.constant 4 : i32
    %dma_start3A_31 = arith.constant 0 : i32
    %dma_start3A_32 = tpu.memref_slice %arg5[%dma_start3A_30, %dma_start3A_31] : memref<26x128xi32, #tpu.memory_space<vmem>> -> memref<1x128xi32, #tpu.memory_space<vmem>>
    %dma_start3A_33 = tpu.memref_squeeze %dma_start3A_32 : memref<1x128xi32, #tpu.memory_space<vmem>> -> memref<128xi32, #tpu.memory_space<vmem>>
    %dma_start3A_34 = arith.constant 0 : i32
    %dma_start3A_35 = arith.constant 0 : i32
    %dma_start3A_36 = tpu.memref_slice %arg3[%dma_start3A_34, %dma_start3A_35] : memref<100000x128xf32, #tpu.memory_space<hbm>> -> memref<100000x128xf32, #tpu.memory_space<hbm>>
    tpu.enqueue_indirect_dma source(%dma_start3A_36 : memref<100000x128xf32, #tpu.memory_space<hbm>>) target(%arg10 : memref<128x128xf32, #tpu.memory_space<vmem>>) offsets(%dma_start3A_33 : memref<128xi32, #tpu.memory_space<vmem>>) semaphore(%arg16 : memref<!tpu.dma_semaphore, #tpu.memory_space<semaphore_mem>>)
    "tpu.region"() ({
      %run_scoped3A = tpu.sem_alloc : memref<!tpu.dma_semaphore, #tpu.memory_space<semaphore_mem>>
      %dma_start3A_111 = arith.constant 8 : i32
      %dma_start3A_112 = arith.constant 0 : i32
      %dma_start3A_113 = tpu.memref_slice %arg5[%dma_start3A_111, %dma_start3A_112] : memref<26x128xi32, #tpu.memory_space<vmem>> -> memref<18x128xi32, #tpu.memory_space<vmem>>
      %dma_start3A_114 = arith.constant 8 : i32
      %dma_start3A_115 = tpu.memref_slice %arg2[%dma_start3A_114, %mul3A_2] : memref<26x4096xi32, #tpu.memory_space<hbm>> -> memref<18x128xi32, #tpu.memory_space<hbm>>
      %dma_start3A_116 = arith.constant 8 : i32
      %dma_start3A_117 = arith.constant 0 : i32
      %dma_start3A_118 = tpu.memref_slice %arg5[%dma_start3A_116, %dma_start3A_117] : memref<26x128xi32, #tpu.memory_space<vmem>> -> memref<18x128xi32, #tpu.memory_space<vmem>>
      %dma_start3A_119 = arith.constant 8 : i32
      %dma_start3A_120 = tpu.memref_slice %arg2[%dma_start3A_119, %mul3A_2] : memref<26x4096xi32, #tpu.memory_space<hbm>> -> memref<18x128xi32, #tpu.memory_space<hbm>>
      tpu.enqueue_dma source(%dma_start3A_120 : memref<18x128xi32, #tpu.memory_space<hbm>>) target(%dma_start3A_118 : memref<18x128xi32, #tpu.memory_space<vmem>>) target_semaphore(%run_scoped3A : memref<!tpu.dma_semaphore, #tpu.memory_space<semaphore_mem>>)
      %dma_wait3A_121 = arith.constant 8 : i32
      %dma_wait3A_122 = arith.constant 0 : i32
      %dma_wait3A_123 = tpu.memref_slice %arg5[%dma_wait3A_121, %dma_wait3A_122] : memref<26x128xi32, #tpu.memory_space<vmem>> -> memref<18x128xi32, #tpu.memory_space<vmem>>
      %dma_wait3A_124 = arith.constant 8 : i32
      %dma_wait3A_125 = tpu.memref_slice %arg2[%dma_wait3A_124, %mul3A_2] : memref<26x4096xi32, #tpu.memory_space<hbm>> -> memref<18x128xi32, #tpu.memory_space<hbm>>
      %dma_wait3A_126 = arith.constant 8 : i32
      %dma_wait3A_127 = arith.constant 0 : i32
      %dma_wait3A_128 = tpu.memref_slice %arg5[%dma_wait3A_126, %dma_wait3A_127] : memref<26x128xi32, #tpu.memory_space<vmem>> -> memref<18x128xi32, #tpu.memory_space<vmem>>
      %dma_wait3A_129 = arith.constant 8 : i32
      %dma_wait3A_130 = tpu.memref_slice %arg2[%dma_wait3A_129, %mul3A_2] : memref<26x4096xi32, #tpu.memory_space<hbm>> -> memref<18x128xi32, #tpu.memory_space<hbm>>
      tpu.wait_dma2 semaphore(%run_scoped3A : memref<!tpu.dma_semaphore, #tpu.memory_space<semaphore_mem>>) src(%dma_wait3A_130 : memref<18x128xi32, #tpu.memory_space<hbm>>) dst(%dma_wait3A_128 : memref<18x128xi32, #tpu.memory_space<vmem>>)
      tpu.yield
    }) : () -> ()
    %scan3A = arith.constant 0 : i32
    %scan3A_37 = arith.constant 0 : i32
    %scan3A_38 = arith.constant 4 : i32
    %scan3A_39 = arith.addi %scan3A_37, %scan3A_38 : i32
    %scan3A_40 = arith.constant 1 : i32
    scf.for %scan3A_111 = %scan3A_37 to %scan3A_39 step %scan3A_40  : i32 {
      %mul3A_112 = arith.constant 6 : i32
      %mul3A_113 = arith.muli %mul3A_112, %scan3A_111 : i32
      %add3A_114 = arith.constant 0 : i32
      %add3A_115 = arith.addi %mul3A_113, %add3A_114 : i32
      %dma_wait3A_116 = arith.constant 0 : i32
      %dma_wait3A_117 = arith.constant 0 : i32
      %dma_wait3A_118 = tpu.memref_slice %arg5[%dma_wait3A_116, %dma_wait3A_117] : memref<26x128xi32, #tpu.memory_space<vmem>> -> memref<1x128xi32, #tpu.memory_space<vmem>>
      %dma_wait3A_119 = tpu.memref_squeeze %dma_wait3A_118 : memref<1x128xi32, #tpu.memory_space<vmem>> -> memref<128xi32, #tpu.memory_space<vmem>>
      %dma_wait3A_120 = arith.constant 0 : i32
      %dma_wait3A_121 = arith.constant 0 : i32
      %dma_wait3A_122 = tpu.memref_slice %arg3[%dma_wait3A_120, %dma_wait3A_121] : memref<100000x128xf32, #tpu.memory_space<hbm>> -> memref<100000x128xf32, #tpu.memory_space<hbm>>
      tpu.wait_indirect_dma semaphore(%arg12 : memref<!tpu.dma_semaphore, #tpu.memory_space<semaphore_mem>>) src(%dma_wait3A_122 : memref<100000x128xf32, #tpu.memory_space<hbm>>) dst(%arg6 : memref<128x128xf32, #tpu.memory_space<vmem>>)
      %dma_start3A_123 = arith.constant 0 : i32
      %dma_start3A_124 = tpu.memref_slice %arg4[%add3A_115, %mul3A_2, %dma_start3A_123] : memref<26x4096x128xf32, #tpu.memory_space<hbm>> -> memref<1x128x128xf32, #tpu.memory_space<hbm>>
      %dma_start3A_125 = tpu.memref_squeeze %dma_start3A_124 : memref<1x128x128xf32, #tpu.memory_space<hbm>> -> memref<128x128xf32, #tpu.memory_space<hbm>>
      %dma_start3A_126 = arith.constant 0 : i32
      %dma_start3A_127 = tpu.memref_slice %arg4[%add3A_115, %mul3A_2, %dma_start3A_126] : memref<26x4096x128xf32, #tpu.memory_space<hbm>> -> memref<1x128x128xf32, #tpu.memory_space<hbm>>
      %dma_start3A_128 = tpu.memref_squeeze %dma_start3A_127 : memref<1x128x128xf32, #tpu.memory_space<hbm>> -> memref<128x128xf32, #tpu.memory_space<hbm>>
      tpu.enqueue_dma source(%arg6 : memref<128x128xf32, #tpu.memory_space<vmem>>) target(%dma_start3A_128 : memref<128x128xf32, #tpu.memory_space<hbm>>) target_semaphore(%arg18 : memref<!tpu.dma_semaphore, #tpu.memory_space<semaphore_mem>>)
      %gt3A = arith.constant 0 : i32
      %gt3A_129 = arith.cmpi sgt, %scan3A_111, %gt3A : i32
      %convert_element_type3A = arith.extui %gt3A_129 : i1 to i32
      %cond3A = arith.constant 0 : i32
      %cond3A_130 = arith.cmpi ne, %convert_element_type3A, %cond3A : i32
      scf.if %cond3A_130 {
        %dma_wait3A_263 = arith.constant 0 : i32
        %dma_wait3A_264 = arith.constant 0 : i32
        %dma_wait3A_265 = tpu.memref_slice %arg4[%dma_wait3A_263, %mul3A_2, %dma_wait3A_264] : memref<26x4096x128xf32, #tpu.memory_space<hbm>> -> memref<1x128x128xf32, #tpu.memory_space<hbm>>
        %dma_wait3A_266 = tpu.memref_squeeze %dma_wait3A_265 : memref<1x128x128xf32, #tpu.memory_space<hbm>> -> memref<128x128xf32, #tpu.memory_space<hbm>>
        %dma_wait3A_267 = arith.constant 0 : i32
        %dma_wait3A_268 = tpu.memref_slice %arg4[%dma_wait3A_263, %mul3A_2, %dma_wait3A_267] : memref<26x4096x128xf32, #tpu.memory_space<hbm>> -> memref<1x128x128xf32, #tpu.memory_space<hbm>>
        %dma_wait3A_269 = tpu.memref_squeeze %dma_wait3A_268 : memref<1x128x128xf32, #tpu.memory_space<hbm>> -> memref<128x128xf32, #tpu.memory_space<hbm>>
        tpu.wait_dma2 semaphore(%arg23 : memref<!tpu.dma_semaphore, #tpu.memory_space<semaphore_mem>>) src(%arg11 : memref<128x128xf32, #tpu.memory_space<vmem>>) dst(%dma_wait3A_269 : memref<128x128xf32, #tpu.memory_space<hbm>>)
        %add3A_270 = arith.constant 6 : i32
        %add3A_271 = arith.addi %add3A_115, %add3A_270 : i32
        %sub3A_272 = arith.constant 1 : i32
        %sub3A_273 = arith.subi %add3A_271, %sub3A_272 : i32
        %dma_start3A_274 = arith.constant 0 : i32
        %dma_start3A_275 = tpu.memref_slice %arg5[%sub3A_273, %dma_start3A_274] : memref<26x128xi32, #tpu.memory_space<vmem>> -> memref<1x128xi32, #tpu.memory_space<vmem>>
        %dma_start3A_276 = tpu.memref_squeeze %dma_start3A_275 : memref<1x128xi32, #tpu.memory_space<vmem>> -> memref<128xi32, #tpu.memory_space<vmem>>
        %dma_start3A_277 = arith.constant 0 : i32
        %dma_start3A_278 = arith.constant 0 : i32
        %dma_start3A_279 = tpu.memref_slice %arg3[%dma_start3A_277, %dma_start3A_278] : memref<100000x128xf32, #tpu.memory_space<hbm>> -> memref<100000x128xf32, #tpu.memory_space<hbm>>
        tpu.enqueue_indirect_dma source(%dma_start3A_279 : memref<100000x128xf32, #tpu.memory_space<hbm>>) target(%arg11 : memref<128x128xf32, #tpu.memory_space<vmem>>) offsets(%dma_start3A_276 : memref<128xi32, #tpu.memory_space<vmem>>) semaphore(%arg17 : memref<!tpu.dma_semaphore, #tpu.memory_space<semaphore_mem>>)
      } else {
      }
      %eq3A = arith.constant 0 : i32
      %eq3A_131 = arith.cmpi eq, %scan3A_111, %eq3A : i32
      %convert_element_type3A_132 = arith.extui %eq3A_131 : i1 to i32
      %cond3A_133 = arith.constant 0 : i32
      %cond3A_134 = arith.cmpi ne, %convert_element_type3A_132, %cond3A_133 : i32
      scf.if %cond3A_134 {
        %dma_start3A_263 = arith.constant 5 : i32
        %dma_start3A_264 = arith.constant 0 : i32
        %dma_start3A_265 = tpu.memref_slice %arg5[%dma_start3A_263, %dma_start3A_264] : memref<26x128xi32, #tpu.memory_space<vmem>> -> memref<1x128xi32, #tpu.memory_space<vmem>>
        %dma_start3A_266 = tpu.memref_squeeze %dma_start3A_265 : memref<1x128xi32, #tpu.memory_space<vmem>> -> memref<128xi32, #tpu.memory_space<vmem>>
        %dma_start3A_267 = arith.constant 0 : i32
        %dma_start3A_268 = arith.constant 0 : i32
        %dma_start3A_269 = tpu.memref_slice %arg3[%dma_start3A_267, %dma_start3A_268] : memref<100000x128xf32, #tpu.memory_space<hbm>> -> memref<100000x128xf32, #tpu.memory_space<hbm>>
        tpu.enqueue_indirect_dma source(%dma_start3A_269 : memref<100000x128xf32, #tpu.memory_space<hbm>>) target(%arg11 : memref<128x128xf32, #tpu.memory_space<vmem>>) offsets(%dma_start3A_266 : memref<128xi32, #tpu.memory_space<vmem>>) semaphore(%arg17 : memref<!tpu.dma_semaphore, #tpu.memory_space<semaphore_mem>>)
      } else {
      }
      %mul3A_135 = arith.constant 6 : i32
      %mul3A_136 = arith.muli %mul3A_135, %scan3A_111 : i32
      %add3A_137 = arith.constant 1 : i32
      %add3A_138 = arith.addi %mul3A_136, %add3A_137 : i32
      %dma_wait3A_139 = arith.constant 0 : i32
      %dma_wait3A_140 = arith.constant 0 : i32
      %dma_wait3A_141 = tpu.memref_slice %arg5[%dma_wait3A_139, %dma_wait3A_140] : memref<26x128xi32, #tpu.memory_space<vmem>> -> memref<1x128xi32, #tpu.memory_space<vmem>>
      %dma_wait3A_142 = tpu.memref_squeeze %dma_wait3A_141 : memref<1x128xi32, #tpu.memory_space<vmem>> -> memref<128xi32, #tpu.memory_space<vmem>>
      %dma_wait3A_143 = arith.constant 0 : i32
      %dma_wait3A_144 = arith.constant 0 : i32
      %dma_wait3A_145 = tpu.memref_slice %arg3[%dma_wait3A_143, %dma_wait3A_144] : memref<100000x128xf32, #tpu.memory_space<hbm>> -> memref<100000x128xf32, #tpu.memory_space<hbm>>
      tpu.wait_indirect_dma semaphore(%arg13 : memref<!tpu.dma_semaphore, #tpu.memory_space<semaphore_mem>>) src(%dma_wait3A_145 : memref<100000x128xf32, #tpu.memory_space<hbm>>) dst(%arg7 : memref<128x128xf32, #tpu.memory_space<vmem>>)
      %dma_start3A_146 = arith.constant 0 : i32
      %dma_start3A_147 = tpu.memref_slice %arg4[%add3A_138, %mul3A_2, %dma_start3A_146] : memref<26x4096x128xf32, #tpu.memory_space<hbm>> -> memref<1x128x128xf32, #tpu.memory_space<hbm>>
      %dma_start3A_148 = tpu.memref_squeeze %dma_start3A_147 : memref<1x128x128xf32, #tpu.memory_space<hbm>> -> memref<128x128xf32, #tpu.memory_space<hbm>>
      %dma_start3A_149 = arith.constant 0 : i32
      %dma_start3A_150 = tpu.memref_slice %arg4[%add3A_138, %mul3A_2, %dma_start3A_149] : memref<26x4096x128xf32, #tpu.memory_space<hbm>> -> memref<1x128x128xf32, #tpu.memory_space<hbm>>
      %dma_start3A_151 = tpu.memref_squeeze %dma_start3A_150 : memref<1x128x128xf32, #tpu.memory_space<hbm>> -> memref<128x128xf32, #tpu.memory_space<hbm>>
      tpu.enqueue_dma source(%arg7 : memref<128x128xf32, #tpu.memory_space<vmem>>) target(%dma_start3A_151 : memref<128x128xf32, #tpu.memory_space<hbm>>) target_semaphore(%arg19 : memref<!tpu.dma_semaphore, #tpu.memory_space<semaphore_mem>>)
      %add3A_152 = arith.constant 6 : i32
      %add3A_153 = arith.addi %add3A_138, %add3A_152 : i32
      %sub3A = arith.constant 1 : i32
      %sub3A_154 = arith.subi %add3A_153, %sub3A : i32
      %lt3A = arith.constant 26 : i32
      %lt3A_155 = arith.cmpi slt, %sub3A_154, %lt3A : i32
      %convert_element_type3A_156 = arith.extui %lt3A_155 : i1 to i32
      %cond3A_157 = arith.constant 0 : i32
      %cond3A_158 = arith.cmpi ne, %convert_element_type3A_156, %cond3A_157 : i32
      scf.if %cond3A_158 {
        %dma_wait3A_263 = arith.constant 0 : i32
        %dma_wait3A_264 = arith.constant 0 : i32
        %dma_wait3A_265 = tpu.memref_slice %arg4[%dma_wait3A_263, %mul3A_2, %dma_wait3A_264] : memref<26x4096x128xf32, #tpu.memory_space<hbm>> -> memref<1x128x128xf32, #tpu.memory_space<hbm>>
        %dma_wait3A_266 = tpu.memref_squeeze %dma_wait3A_265 : memref<1x128x128xf32, #tpu.memory_space<hbm>> -> memref<128x128xf32, #tpu.memory_space<hbm>>
        %dma_wait3A_267 = arith.constant 0 : i32
        %dma_wait3A_268 = tpu.memref_slice %arg4[%dma_wait3A_263, %mul3A_2, %dma_wait3A_267] : memref<26x4096x128xf32, #tpu.memory_space<hbm>> -> memref<1x128x128xf32, #tpu.memory_space<hbm>>
        %dma_wait3A_269 = tpu.memref_squeeze %dma_wait3A_268 : memref<1x128x128xf32, #tpu.memory_space<hbm>> -> memref<128x128xf32, #tpu.memory_space<hbm>>
        tpu.wait_dma2 semaphore(%arg18 : memref<!tpu.dma_semaphore, #tpu.memory_space<semaphore_mem>>) src(%arg6 : memref<128x128xf32, #tpu.memory_space<vmem>>) dst(%dma_wait3A_269 : memref<128x128xf32, #tpu.memory_space<hbm>>)
        %add3A_270 = arith.constant 6 : i32
        %add3A_271 = arith.addi %add3A_138, %add3A_270 : i32
        %sub3A_272 = arith.constant 1 : i32
        %sub3A_273 = arith.subi %add3A_271, %sub3A_272 : i32
        %dma_start3A_274 = arith.constant 0 : i32
        %dma_start3A_275 = tpu.memref_slice %arg5[%sub3A_273, %dma_start3A_274] : memref<26x128xi32, #tpu.memory_space<vmem>> -> memref<1x128xi32, #tpu.memory_space<vmem>>
        %dma_start3A_276 = tpu.memref_squeeze %dma_start3A_275 : memref<1x128xi32, #tpu.memory_space<vmem>> -> memref<128xi32, #tpu.memory_space<vmem>>
        %dma_start3A_277 = arith.constant 0 : i32
        %dma_start3A_278 = arith.constant 0 : i32
        %dma_start3A_279 = tpu.memref_slice %arg3[%dma_start3A_277, %dma_start3A_278] : memref<100000x128xf32, #tpu.memory_space<hbm>> -> memref<100000x128xf32, #tpu.memory_space<hbm>>
        tpu.enqueue_indirect_dma source(%dma_start3A_279 : memref<100000x128xf32, #tpu.memory_space<hbm>>) target(%arg6 : memref<128x128xf32, #tpu.memory_space<vmem>>) offsets(%dma_start3A_276 : memref<128xi32, #tpu.memory_space<vmem>>) semaphore(%arg12 : memref<!tpu.dma_semaphore, #tpu.memory_space<semaphore_mem>>)
      } else {
      }
      %mul3A_159 = arith.constant 6 : i32
      %mul3A_160 = arith.muli %mul3A_159, %scan3A_111 : i32
      %add3A_161 = arith.constant 2 : i32
      %add3A_162 = arith.addi %mul3A_160, %add3A_161 : i32
      %dma_wait3A_163 = arith.constant 0 : i32
      %dma_wait3A_164 = arith.constant 0 : i32
      %dma_wait3A_165 = tpu.memref_slice %arg5[%dma_wait3A_163, %dma_wait3A_164] : memref<26x128xi32, #tpu.memory_space<vmem>> -> memref<1x128xi32, #tpu.memory_space<vmem>>
      %dma_wait3A_166 = tpu.memref_squeeze %dma_wait3A_165 : memref<1x128xi32, #tpu.memory_space<vmem>> -> memref<128xi32, #tpu.memory_space<vmem>>
      %dma_wait3A_167 = arith.constant 0 : i32
      %dma_wait3A_168 = arith.constant 0 : i32
      %dma_wait3A_169 = tpu.memref_slice %arg3[%dma_wait3A_167, %dma_wait3A_168] : memref<100000x128xf32, #tpu.memory_space<hbm>> -> memref<100000x128xf32, #tpu.memory_space<hbm>>
      tpu.wait_indirect_dma semaphore(%arg14 : memref<!tpu.dma_semaphore, #tpu.memory_space<semaphore_mem>>) src(%dma_wait3A_169 : memref<100000x128xf32, #tpu.memory_space<hbm>>) dst(%arg8 : memref<128x128xf32, #tpu.memory_space<vmem>>)
      %dma_start3A_170 = arith.constant 0 : i32
      %dma_start3A_171 = tpu.memref_slice %arg4[%add3A_162, %mul3A_2, %dma_start3A_170] : memref<26x4096x128xf32, #tpu.memory_space<hbm>> -> memref<1x128x128xf32, #tpu.memory_space<hbm>>
      %dma_start3A_172 = tpu.memref_squeeze %dma_start3A_171 : memref<1x128x128xf32, #tpu.memory_space<hbm>> -> memref<128x128xf32, #tpu.memory_space<hbm>>
      %dma_start3A_173 = arith.constant 0 : i32
      %dma_start3A_174 = tpu.memref_slice %arg4[%add3A_162, %mul3A_2, %dma_start3A_173] : memref<26x4096x128xf32, #tpu.memory_space<hbm>> -> memref<1x128x128xf32, #tpu.memory_space<hbm>>
      %dma_start3A_175 = tpu.memref_squeeze %dma_start3A_174 : memref<1x128x128xf32, #tpu.memory_space<hbm>> -> memref<128x128xf32, #tpu.memory_space<hbm>>
      tpu.enqueue_dma source(%arg8 : memref<128x128xf32, #tpu.memory_space<vmem>>) target(%dma_start3A_175 : memref<128x128xf32, #tpu.memory_space<hbm>>) target_semaphore(%arg20 : memref<!tpu.dma_semaphore, #tpu.memory_space<semaphore_mem>>)
      %add3A_176 = arith.constant 6 : i32
      %add3A_177 = arith.addi %add3A_162, %add3A_176 : i32
      %sub3A_178 = arith.constant 1 : i32
      %sub3A_179 = arith.subi %add3A_177, %sub3A_178 : i32
      %lt3A_180 = arith.constant 26 : i32
      %lt3A_181 = arith.cmpi slt, %sub3A_179, %lt3A_180 : i32
      %convert_element_type3A_182 = arith.extui %lt3A_181 : i1 to i32
      %cond3A_183 = arith.constant 0 : i32
      %cond3A_184 = arith.cmpi ne, %convert_element_type3A_182, %cond3A_183 : i32
      scf.if %cond3A_184 {
        %dma_wait3A_263 = arith.constant 0 : i32
        %dma_wait3A_264 = arith.constant 0 : i32
        %dma_wait3A_265 = tpu.memref_slice %arg4[%dma_wait3A_263, %mul3A_2, %dma_wait3A_264] : memref<26x4096x128xf32, #tpu.memory_space<hbm>> -> memref<1x128x128xf32, #tpu.memory_space<hbm>>
        %dma_wait3A_266 = tpu.memref_squeeze %dma_wait3A_265 : memref<1x128x128xf32, #tpu.memory_space<hbm>> -> memref<128x128xf32, #tpu.memory_space<hbm>>
        %dma_wait3A_267 = arith.constant 0 : i32
        %dma_wait3A_268 = tpu.memref_slice %arg4[%dma_wait3A_263, %mul3A_2, %dma_wait3A_267] : memref<26x4096x128xf32, #tpu.memory_space<hbm>> -> memref<1x128x128xf32, #tpu.memory_space<hbm>>
        %dma_wait3A_269 = tpu.memref_squeeze %dma_wait3A_268 : memref<1x128x128xf32, #tpu.memory_space<hbm>> -> memref<128x128xf32, #tpu.memory_space<hbm>>
        tpu.wait_dma2 semaphore(%arg19 : memref<!tpu.dma_semaphore, #tpu.memory_space<semaphore_mem>>) src(%arg7 : memref<128x128xf32, #tpu.memory_space<vmem>>) dst(%dma_wait3A_269 : memref<128x128xf32, #tpu.memory_space<hbm>>)
        %add3A_270 = arith.constant 6 : i32
        %add3A_271 = arith.addi %add3A_162, %add3A_270 : i32
        %sub3A_272 = arith.constant 1 : i32
        %sub3A_273 = arith.subi %add3A_271, %sub3A_272 : i32
        %dma_start3A_274 = arith.constant 0 : i32
        %dma_start3A_275 = tpu.memref_slice %arg5[%sub3A_273, %dma_start3A_274] : memref<26x128xi32, #tpu.memory_space<vmem>> -> memref<1x128xi32, #tpu.memory_space<vmem>>
        %dma_start3A_276 = tpu.memref_squeeze %dma_start3A_275 : memref<1x128xi32, #tpu.memory_space<vmem>> -> memref<128xi32, #tpu.memory_space<vmem>>
        %dma_start3A_277 = arith.constant 0 : i32
        %dma_start3A_278 = arith.constant 0 : i32
        %dma_start3A_279 = tpu.memref_slice %arg3[%dma_start3A_277, %dma_start3A_278] : memref<100000x128xf32, #tpu.memory_space<hbm>> -> memref<100000x128xf32, #tpu.memory_space<hbm>>
        tpu.enqueue_indirect_dma source(%dma_start3A_279 : memref<100000x128xf32, #tpu.memory_space<hbm>>) target(%arg7 : memref<128x128xf32, #tpu.memory_space<vmem>>) offsets(%dma_start3A_276 : memref<128xi32, #tpu.memory_space<vmem>>) semaphore(%arg13 : memref<!tpu.dma_semaphore, #tpu.memory_space<semaphore_mem>>)
      } else {
      }
      %mul3A_185 = arith.constant 6 : i32
      %mul3A_186 = arith.muli %mul3A_185, %scan3A_111 : i32
      %add3A_187 = arith.constant 3 : i32
      %add3A_188 = arith.addi %mul3A_186, %add3A_187 : i32
      %dma_wait3A_189 = arith.constant 0 : i32
      %dma_wait3A_190 = arith.constant 0 : i32
      %dma_wait3A_191 = tpu.memref_slice %arg5[%dma_wait3A_189, %dma_wait3A_190] : memref<26x128xi32, #tpu.memory_space<vmem>> -> memref<1x128xi32, #tpu.memory_space<vmem>>
      %dma_wait3A_192 = tpu.memref_squeeze %dma_wait3A_191 : memref<1x128xi32, #tpu.memory_space<vmem>> -> memref<128xi32, #tpu.memory_space<vmem>>
      %dma_wait3A_193 = arith.constant 0 : i32
      %dma_wait3A_194 = arith.constant 0 : i32
      %dma_wait3A_195 = tpu.memref_slice %arg3[%dma_wait3A_193, %dma_wait3A_194] : memref<100000x128xf32, #tpu.memory_space<hbm>> -> memref<100000x128xf32, #tpu.memory_space<hbm>>
      tpu.wait_indirect_dma semaphore(%arg15 : memref<!tpu.dma_semaphore, #tpu.memory_space<semaphore_mem>>) src(%dma_wait3A_195 : memref<100000x128xf32, #tpu.memory_space<hbm>>) dst(%arg9 : memref<128x128xf32, #tpu.memory_space<vmem>>)
      %dma_start3A_196 = arith.constant 0 : i32
      %dma_start3A_197 = tpu.memref_slice %arg4[%add3A_188, %mul3A_2, %dma_start3A_196] : memref<26x4096x128xf32, #tpu.memory_space<hbm>> -> memref<1x128x128xf32, #tpu.memory_space<hbm>>
      %dma_start3A_198 = tpu.memref_squeeze %dma_start3A_197 : memref<1x128x128xf32, #tpu.memory_space<hbm>> -> memref<128x128xf32, #tpu.memory_space<hbm>>
      %dma_start3A_199 = arith.constant 0 : i32
      %dma_start3A_200 = tpu.memref_slice %arg4[%add3A_188, %mul3A_2, %dma_start3A_199] : memref<26x4096x128xf32, #tpu.memory_space<hbm>> -> memref<1x128x128xf32, #tpu.memory_space<hbm>>
      %dma_start3A_201 = tpu.memref_squeeze %dma_start3A_200 : memref<1x128x128xf32, #tpu.memory_space<hbm>> -> memref<128x128xf32, #tpu.memory_space<hbm>>
      tpu.enqueue_dma source(%arg9 : memref<128x128xf32, #tpu.memory_space<vmem>>) target(%dma_start3A_201 : memref<128x128xf32, #tpu.memory_space<hbm>>) target_semaphore(%arg21 : memref<!tpu.dma_semaphore, #tpu.memory_space<semaphore_mem>>)
      %add3A_202 = arith.constant 6 : i32
      %add3A_203 = arith.addi %add3A_188, %add3A_202 : i32
      %sub3A_204 = arith.constant 1 : i32
      %sub3A_205 = arith.subi %add3A_203, %sub3A_204 : i32
      %lt3A_206 = arith.constant 26 : i32
      %lt3A_207 = arith.cmpi slt, %sub3A_205, %lt3A_206 : i32
      %convert_element_type3A_208 = arith.extui %lt3A_207 : i1 to i32
      %cond3A_209 = arith.constant 0 : i32
      %cond3A_210 = arith.cmpi ne, %convert_element_type3A_208, %cond3A_209 : i32
      scf.if %cond3A_210 {
        %dma_wait3A_263 = arith.constant 0 : i32
        %dma_wait3A_264 = arith.constant 0 : i32
        %dma_wait3A_265 = tpu.memref_slice %arg4[%dma_wait3A_263, %mul3A_2, %dma_wait3A_264] : memref<26x4096x128xf32, #tpu.memory_space<hbm>> -> memref<1x128x128xf32, #tpu.memory_space<hbm>>
        %dma_wait3A_266 = tpu.memref_squeeze %dma_wait3A_265 : memref<1x128x128xf32, #tpu.memory_space<hbm>> -> memref<128x128xf32, #tpu.memory_space<hbm>>
        %dma_wait3A_267 = arith.constant 0 : i32
        %dma_wait3A_268 = tpu.memref_slice %arg4[%dma_wait3A_263, %mul3A_2, %dma_wait3A_267] : memref<26x4096x128xf32, #tpu.memory_space<hbm>> -> memref<1x128x128xf32, #tpu.memory_space<hbm>>
        %dma_wait3A_269 = tpu.memref_squeeze %dma_wait3A_268 : memref<1x128x128xf32, #tpu.memory_space<hbm>> -> memref<128x128xf32, #tpu.memory_space<hbm>>
        tpu.wait_dma2 semaphore(%arg20 : memref<!tpu.dma_semaphore, #tpu.memory_space<semaphore_mem>>) src(%arg8 : memref<128x128xf32, #tpu.memory_space<vmem>>) dst(%dma_wait3A_269 : memref<128x128xf32, #tpu.memory_space<hbm>>)
        %add3A_270 = arith.constant 6 : i32
        %add3A_271 = arith.addi %add3A_188, %add3A_270 : i32
        %sub3A_272 = arith.constant 1 : i32
        %sub3A_273 = arith.subi %add3A_271, %sub3A_272 : i32
        %dma_start3A_274 = arith.constant 0 : i32
        %dma_start3A_275 = tpu.memref_slice %arg5[%sub3A_273, %dma_start3A_274] : memref<26x128xi32, #tpu.memory_space<vmem>> -> memref<1x128xi32, #tpu.memory_space<vmem>>
        %dma_start3A_276 = tpu.memref_squeeze %dma_start3A_275 : memref<1x128xi32, #tpu.memory_space<vmem>> -> memref<128xi32, #tpu.memory_space<vmem>>
        %dma_start3A_277 = arith.constant 0 : i32
        %dma_start3A_278 = arith.constant 0 : i32
        %dma_start3A_279 = tpu.memref_slice %arg3[%dma_start3A_277, %dma_start3A_278] : memref<100000x128xf32, #tpu.memory_space<hbm>> -> memref<100000x128xf32, #tpu.memory_space<hbm>>
        tpu.enqueue_indirect_dma source(%dma_start3A_279 : memref<100000x128xf32, #tpu.memory_space<hbm>>) target(%arg8 : memref<128x128xf32, #tpu.memory_space<vmem>>) offsets(%dma_start3A_276 : memref<128xi32, #tpu.memory_space<vmem>>) semaphore(%arg14 : memref<!tpu.dma_semaphore, #tpu.memory_space<semaphore_mem>>)
      } else {
      }
      %mul3A_211 = arith.constant 6 : i32
      %mul3A_212 = arith.muli %mul3A_211, %scan3A_111 : i32
      %add3A_213 = arith.constant 4 : i32
      %add3A_214 = arith.addi %mul3A_212, %add3A_213 : i32
      %dma_wait3A_215 = arith.constant 0 : i32
      %dma_wait3A_216 = arith.constant 0 : i32
      %dma_wait3A_217 = tpu.memref_slice %arg5[%dma_wait3A_215, %dma_wait3A_216] : memref<26x128xi32, #tpu.memory_space<vmem>> -> memref<1x128xi32, #tpu.memory_space<vmem>>
      %dma_wait3A_218 = tpu.memref_squeeze %dma_wait3A_217 : memref<1x128xi32, #tpu.memory_space<vmem>> -> memref<128xi32, #tpu.memory_space<vmem>>
      %dma_wait3A_219 = arith.constant 0 : i32
      %dma_wait3A_220 = arith.constant 0 : i32
      %dma_wait3A_221 = tpu.memref_slice %arg3[%dma_wait3A_219, %dma_wait3A_220] : memref<100000x128xf32, #tpu.memory_space<hbm>> -> memref<100000x128xf32, #tpu.memory_space<hbm>>
      tpu.wait_indirect_dma semaphore(%arg16 : memref<!tpu.dma_semaphore, #tpu.memory_space<semaphore_mem>>) src(%dma_wait3A_221 : memref<100000x128xf32, #tpu.memory_space<hbm>>) dst(%arg10 : memref<128x128xf32, #tpu.memory_space<vmem>>)
      %dma_start3A_222 = arith.constant 0 : i32
      %dma_start3A_223 = tpu.memref_slice %arg4[%add3A_214, %mul3A_2, %dma_start3A_222] : memref<26x4096x128xf32, #tpu.memory_space<hbm>> -> memref<1x128x128xf32, #tpu.memory_space<hbm>>
      %dma_start3A_224 = tpu.memref_squeeze %dma_start3A_223 : memref<1x128x128xf32, #tpu.memory_space<hbm>> -> memref<128x128xf32, #tpu.memory_space<hbm>>
      %dma_start3A_225 = arith.constant 0 : i32
      %dma_start3A_226 = tpu.memref_slice %arg4[%add3A_214, %mul3A_2, %dma_start3A_225] : memref<26x4096x128xf32, #tpu.memory_space<hbm>> -> memref<1x128x128xf32, #tpu.memory_space<hbm>>
      %dma_start3A_227 = tpu.memref_squeeze %dma_start3A_226 : memref<1x128x128xf32, #tpu.memory_space<hbm>> -> memref<128x128xf32, #tpu.memory_space<hbm>>
      tpu.enqueue_dma source(%arg10 : memref<128x128xf32, #tpu.memory_space<vmem>>) target(%dma_start3A_227 : memref<128x128xf32, #tpu.memory_space<hbm>>) target_semaphore(%arg22 : memref<!tpu.dma_semaphore, #tpu.memory_space<semaphore_mem>>)
      %add3A_228 = arith.constant 6 : i32
      %add3A_229 = arith.addi %add3A_214, %add3A_228 : i32
      %sub3A_230 = arith.constant 1 : i32
      %sub3A_231 = arith.subi %add3A_229, %sub3A_230 : i32
      %lt3A_232 = arith.constant 26 : i32
      %lt3A_233 = arith.cmpi slt, %sub3A_231, %lt3A_232 : i32
      %convert_element_type3A_234 = arith.extui %lt3A_233 : i1 to i32
      %cond3A_235 = arith.constant 0 : i32
      %cond3A_236 = arith.cmpi ne, %convert_element_type3A_234, %cond3A_235 : i32
      scf.if %cond3A_236 {
        %dma_wait3A_263 = arith.constant 0 : i32
        %dma_wait3A_264 = arith.constant 0 : i32
        %dma_wait3A_265 = tpu.memref_slice %arg4[%dma_wait3A_263, %mul3A_2, %dma_wait3A_264] : memref<26x4096x128xf32, #tpu.memory_space<hbm>> -> memref<1x128x128xf32, #tpu.memory_space<hbm>>
        %dma_wait3A_266 = tpu.memref_squeeze %dma_wait3A_265 : memref<1x128x128xf32, #tpu.memory_space<hbm>> -> memref<128x128xf32, #tpu.memory_space<hbm>>
        %dma_wait3A_267 = arith.constant 0 : i32
        %dma_wait3A_268 = tpu.memref_slice %arg4[%dma_wait3A_263, %mul3A_2, %dma_wait3A_267] : memref<26x4096x128xf32, #tpu.memory_space<hbm>> -> memref<1x128x128xf32, #tpu.memory_space<hbm>>
        %dma_wait3A_269 = tpu.memref_squeeze %dma_wait3A_268 : memref<1x128x128xf32, #tpu.memory_space<hbm>> -> memref<128x128xf32, #tpu.memory_space<hbm>>
        tpu.wait_dma2 semaphore(%arg21 : memref<!tpu.dma_semaphore, #tpu.memory_space<semaphore_mem>>) src(%arg9 : memref<128x128xf32, #tpu.memory_space<vmem>>) dst(%dma_wait3A_269 : memref<128x128xf32, #tpu.memory_space<hbm>>)
        %add3A_270 = arith.constant 6 : i32
        %add3A_271 = arith.addi %add3A_214, %add3A_270 : i32
        %sub3A_272 = arith.constant 1 : i32
        %sub3A_273 = arith.subi %add3A_271, %sub3A_272 : i32
        %dma_start3A_274 = arith.constant 0 : i32
        %dma_start3A_275 = tpu.memref_slice %arg5[%sub3A_273, %dma_start3A_274] : memref<26x128xi32, #tpu.memory_space<vmem>> -> memref<1x128xi32, #tpu.memory_space<vmem>>
        %dma_start3A_276 = tpu.memref_squeeze %dma_start3A_275 : memref<1x128xi32, #tpu.memory_space<vmem>> -> memref<128xi32, #tpu.memory_space<vmem>>
        %dma_start3A_277 = arith.constant 0 : i32
        %dma_start3A_278 = arith.constant 0 : i32
        %dma_start3A_279 = tpu.memref_slice %arg3[%dma_start3A_277, %dma_start3A_278] : memref<100000x128xf32, #tpu.memory_space<hbm>> -> memref<100000x128xf32, #tpu.memory_space<hbm>>
        tpu.enqueue_indirect_dma source(%dma_start3A_279 : memref<100000x128xf32, #tpu.memory_space<hbm>>) target(%arg9 : memref<128x128xf32, #tpu.memory_space<vmem>>) offsets(%dma_start3A_276 : memref<128xi32, #tpu.memory_space<vmem>>) semaphore(%arg15 : memref<!tpu.dma_semaphore, #tpu.memory_space<semaphore_mem>>)
      } else {
      }
      %mul3A_237 = arith.constant 6 : i32
      %mul3A_238 = arith.muli %mul3A_237, %scan3A_111 : i32
      %add3A_239 = arith.constant 5 : i32
      %add3A_240 = arith.addi %mul3A_238, %add3A_239 : i32
      %dma_wait3A_241 = arith.constant 0 : i32
      %dma_wait3A_242 = arith.constant 0 : i32
      %dma_wait3A_243 = tpu.memref_slice %arg5[%dma_wait3A_241, %dma_wait3A_242] : memref<26x128xi32, #tpu.memory_space<vmem>> -> memref<1x128xi32, #tpu.memory_space<vmem>>
      %dma_wait3A_244 = tpu.memref_squeeze %dma_wait3A_243 : memref<1x128xi32, #tpu.memory_space<vmem>> -> memref<128xi32, #tpu.memory_space<vmem>>
      %dma_wait3A_245 = arith.constant 0 : i32
      %dma_wait3A_246 = arith.constant 0 : i32
      %dma_wait3A_247 = tpu.memref_slice %arg3[%dma_wait3A_245, %dma_wait3A_246] : memref<100000x128xf32, #tpu.memory_space<hbm>> -> memref<100000x128xf32, #tpu.memory_space<hbm>>
      tpu.wait_indirect_dma semaphore(%arg17 : memref<!tpu.dma_semaphore, #tpu.memory_space<semaphore_mem>>) src(%dma_wait3A_247 : memref<100000x128xf32, #tpu.memory_space<hbm>>) dst(%arg11 : memref<128x128xf32, #tpu.memory_space<vmem>>)
      %dma_start3A_248 = arith.constant 0 : i32
      %dma_start3A_249 = tpu.memref_slice %arg4[%add3A_240, %mul3A_2, %dma_start3A_248] : memref<26x4096x128xf32, #tpu.memory_space<hbm>> -> memref<1x128x128xf32, #tpu.memory_space<hbm>>
      %dma_start3A_250 = tpu.memref_squeeze %dma_start3A_249 : memref<1x128x128xf32, #tpu.memory_space<hbm>> -> memref<128x128xf32, #tpu.memory_space<hbm>>
      %dma_start3A_251 = arith.constant 0 : i32
      %dma_start3A_252 = tpu.memref_slice %arg4[%add3A_240, %mul3A_2, %dma_start3A_251] : memref<26x4096x128xf32, #tpu.memory_space<hbm>> -> memref<1x128x128xf32, #tpu.memory_space<hbm>>
      %dma_start3A_253 = tpu.memref_squeeze %dma_start3A_252 : memref<1x128x128xf32, #tpu.memory_space<hbm>> -> memref<128x128xf32, #tpu.memory_space<hbm>>
      tpu.enqueue_dma source(%arg11 : memref<128x128xf32, #tpu.memory_space<vmem>>) target(%dma_start3A_253 : memref<128x128xf32, #tpu.memory_space<hbm>>) target_semaphore(%arg23 : memref<!tpu.dma_semaphore, #tpu.memory_space<semaphore_mem>>)
      %add3A_254 = arith.constant 6 : i32
      %add3A_255 = arith.addi %add3A_240, %add3A_254 : i32
      %sub3A_256 = arith.constant 1 : i32
      %sub3A_257 = arith.subi %add3A_255, %sub3A_256 : i32
      %lt3A_258 = arith.constant 26 : i32
      %lt3A_259 = arith.cmpi slt, %sub3A_257, %lt3A_258 : i32
      %convert_element_type3A_260 = arith.extui %lt3A_259 : i1 to i32
      %cond3A_261 = arith.constant 0 : i32
      %cond3A_262 = arith.cmpi ne, %convert_element_type3A_260, %cond3A_261 : i32
      scf.if %cond3A_262 {
        %dma_wait3A_263 = arith.constant 0 : i32
        %dma_wait3A_264 = arith.constant 0 : i32
        %dma_wait3A_265 = tpu.memref_slice %arg4[%dma_wait3A_263, %mul3A_2, %dma_wait3A_264] : memref<26x4096x128xf32, #tpu.memory_space<hbm>> -> memref<1x128x128xf32, #tpu.memory_space<hbm>>
        %dma_wait3A_266 = tpu.memref_squeeze %dma_wait3A_265 : memref<1x128x128xf32, #tpu.memory_space<hbm>> -> memref<128x128xf32, #tpu.memory_space<hbm>>
        %dma_wait3A_267 = arith.constant 0 : i32
        %dma_wait3A_268 = tpu.memref_slice %arg4[%dma_wait3A_263, %mul3A_2, %dma_wait3A_267] : memref<26x4096x128xf32, #tpu.memory_space<hbm>> -> memref<1x128x128xf32, #tpu.memory_space<hbm>>
        %dma_wait3A_269 = tpu.memref_squeeze %dma_wait3A_268 : memref<1x128x128xf32, #tpu.memory_space<hbm>> -> memref<128x128xf32, #tpu.memory_space<hbm>>
        tpu.wait_dma2 semaphore(%arg22 : memref<!tpu.dma_semaphore, #tpu.memory_space<semaphore_mem>>) src(%arg10 : memref<128x128xf32, #tpu.memory_space<vmem>>) dst(%dma_wait3A_269 : memref<128x128xf32, #tpu.memory_space<hbm>>)
        %add3A_270 = arith.constant 6 : i32
        %add3A_271 = arith.addi %add3A_240, %add3A_270 : i32
        %sub3A_272 = arith.constant 1 : i32
        %sub3A_273 = arith.subi %add3A_271, %sub3A_272 : i32
        %dma_start3A_274 = arith.constant 0 : i32
        %dma_start3A_275 = tpu.memref_slice %arg5[%sub3A_273, %dma_start3A_274] : memref<26x128xi32, #tpu.memory_space<vmem>> -> memref<1x128xi32, #tpu.memory_space<vmem>>
        %dma_start3A_276 = tpu.memref_squeeze %dma_start3A_275 : memref<1x128xi32, #tpu.memory_space<vmem>> -> memref<128xi32, #tpu.memory_space<vmem>>
        %dma_start3A_277 = arith.constant 0 : i32
        %dma_start3A_278 = arith.constant 0 : i32
        %dma_start3A_279 = tpu.memref_slice %arg3[%dma_start3A_277, %dma_start3A_278] : memref<100000x128xf32, #tpu.memory_space<hbm>> -> memref<100000x128xf32, #tpu.memory_space<hbm>>
        tpu.enqueue_indirect_dma source(%dma_start3A_279 : memref<100000x128xf32, #tpu.memory_space<hbm>>) target(%arg10 : memref<128x128xf32, #tpu.memory_space<vmem>>) offsets(%dma_start3A_276 : memref<128xi32, #tpu.memory_space<vmem>>) semaphore(%arg16 : memref<!tpu.dma_semaphore, #tpu.memory_space<semaphore_mem>>)
      } else {
      }
    }
    %scan3A_41 = arith.constant 4 : i32
    %dma_wait3A = arith.constant 0 : i32
    %dma_wait3A_42 = arith.constant 0 : i32
    %dma_wait3A_43 = tpu.memref_slice %arg5[%dma_wait3A, %dma_wait3A_42] : memref<26x128xi32, #tpu.memory_space<vmem>> -> memref<1x128xi32, #tpu.memory_space<vmem>>
    %dma_wait3A_44 = tpu.memref_squeeze %dma_wait3A_43 : memref<1x128xi32, #tpu.memory_space<vmem>> -> memref<128xi32, #tpu.memory_space<vmem>>
    %dma_wait3A_45 = arith.constant 0 : i32
    %dma_wait3A_46 = arith.constant 0 : i32
    %dma_wait3A_47 = tpu.memref_slice %arg3[%dma_wait3A_45, %dma_wait3A_46] : memref<100000x128xf32, #tpu.memory_space<hbm>> -> memref<100000x128xf32, #tpu.memory_space<hbm>>
    tpu.wait_indirect_dma semaphore(%arg12 : memref<!tpu.dma_semaphore, #tpu.memory_space<semaphore_mem>>) src(%dma_wait3A_47 : memref<100000x128xf32, #tpu.memory_space<hbm>>) dst(%arg6 : memref<128x128xf32, #tpu.memory_space<vmem>>)
    %dma_start3A_48 = arith.constant 24 : i32
    %dma_start3A_49 = arith.constant 0 : i32
    %dma_start3A_50 = tpu.memref_slice %arg4[%dma_start3A_48, %mul3A_2, %dma_start3A_49] : memref<26x4096x128xf32, #tpu.memory_space<hbm>> -> memref<1x128x128xf32, #tpu.memory_space<hbm>>
    %dma_start3A_51 = tpu.memref_squeeze %dma_start3A_50 : memref<1x128x128xf32, #tpu.memory_space<hbm>> -> memref<128x128xf32, #tpu.memory_space<hbm>>
    %dma_start3A_52 = arith.constant 0 : i32
    %dma_start3A_53 = tpu.memref_slice %arg4[%dma_start3A_48, %mul3A_2, %dma_start3A_52] : memref<26x4096x128xf32, #tpu.memory_space<hbm>> -> memref<1x128x128xf32, #tpu.memory_space<hbm>>
    %dma_start3A_54 = tpu.memref_squeeze %dma_start3A_53 : memref<1x128x128xf32, #tpu.memory_space<hbm>> -> memref<128x128xf32, #tpu.memory_space<hbm>>
    tpu.enqueue_dma source(%arg6 : memref<128x128xf32, #tpu.memory_space<vmem>>) target(%dma_start3A_54 : memref<128x128xf32, #tpu.memory_space<hbm>>) target_semaphore(%arg18 : memref<!tpu.dma_semaphore, #tpu.memory_space<semaphore_mem>>)
    %dma_wait3A_55 = arith.constant 0 : i32
    %dma_wait3A_56 = arith.constant 0 : i32
    %dma_wait3A_57 = tpu.memref_slice %arg5[%dma_wait3A_55, %dma_wait3A_56] : memref<26x128xi32, #tpu.memory_space<vmem>> -> memref<1x128xi32, #tpu.memory_space<vmem>>
    %dma_wait3A_58 = tpu.memref_squeeze %dma_wait3A_57 : memref<1x128xi32, #tpu.memory_space<vmem>> -> memref<128xi32, #tpu.memory_space<vmem>>
    %dma_wait3A_59 = arith.constant 0 : i32
    %dma_wait3A_60 = arith.constant 0 : i32
    %dma_wait3A_61 = tpu.memref_slice %arg3[%dma_wait3A_59, %dma_wait3A_60] : memref<100000x128xf32, #tpu.memory_space<hbm>> -> memref<100000x128xf32, #tpu.memory_space<hbm>>
    tpu.wait_indirect_dma semaphore(%arg13 : memref<!tpu.dma_semaphore, #tpu.memory_space<semaphore_mem>>) src(%dma_wait3A_61 : memref<100000x128xf32, #tpu.memory_space<hbm>>) dst(%arg7 : memref<128x128xf32, #tpu.memory_space<vmem>>)
    %dma_start3A_62 = arith.constant 25 : i32
    %dma_start3A_63 = arith.constant 0 : i32
    %dma_start3A_64 = tpu.memref_slice %arg4[%dma_start3A_62, %mul3A_2, %dma_start3A_63] : memref<26x4096x128xf32, #tpu.memory_space<hbm>> -> memref<1x128x128xf32, #tpu.memory_space<hbm>>
    %dma_start3A_65 = tpu.memref_squeeze %dma_start3A_64 : memref<1x128x128xf32, #tpu.memory_space<hbm>> -> memref<128x128xf32, #tpu.memory_space<hbm>>
    %dma_start3A_66 = arith.constant 0 : i32
    %dma_start3A_67 = tpu.memref_slice %arg4[%dma_start3A_62, %mul3A_2, %dma_start3A_66] : memref<26x4096x128xf32, #tpu.memory_space<hbm>> -> memref<1x128x128xf32, #tpu.memory_space<hbm>>
    %dma_start3A_68 = tpu.memref_squeeze %dma_start3A_67 : memref<1x128x128xf32, #tpu.memory_space<hbm>> -> memref<128x128xf32, #tpu.memory_space<hbm>>
    tpu.enqueue_dma source(%arg7 : memref<128x128xf32, #tpu.memory_space<vmem>>) target(%dma_start3A_68 : memref<128x128xf32, #tpu.memory_space<hbm>>) target_semaphore(%arg19 : memref<!tpu.dma_semaphore, #tpu.memory_space<semaphore_mem>>)
    %dma_wait3A_69 = arith.constant 0 : i32
    %dma_wait3A_70 = arith.constant 0 : i32
    %dma_wait3A_71 = tpu.memref_slice %arg4[%dma_wait3A_69, %mul3A_2, %dma_wait3A_70] : memref<26x4096x128xf32, #tpu.memory_space<hbm>> -> memref<1x128x128xf32, #tpu.memory_space<hbm>>
    %dma_wait3A_72 = tpu.memref_squeeze %dma_wait3A_71 : memref<1x128x128xf32, #tpu.memory_space<hbm>> -> memref<128x128xf32, #tpu.memory_space<hbm>>
    %dma_wait3A_73 = arith.constant 0 : i32
    %dma_wait3A_74 = tpu.memref_slice %arg4[%dma_wait3A_69, %mul3A_2, %dma_wait3A_73] : memref<26x4096x128xf32, #tpu.memory_space<hbm>> -> memref<1x128x128xf32, #tpu.memory_space<hbm>>
    %dma_wait3A_75 = tpu.memref_squeeze %dma_wait3A_74 : memref<1x128x128xf32, #tpu.memory_space<hbm>> -> memref<128x128xf32, #tpu.memory_space<hbm>>
    tpu.wait_dma2 semaphore(%arg18 : memref<!tpu.dma_semaphore, #tpu.memory_space<semaphore_mem>>) src(%arg6 : memref<128x128xf32, #tpu.memory_space<vmem>>) dst(%dma_wait3A_75 : memref<128x128xf32, #tpu.memory_space<hbm>>)
    %dma_wait3A_76 = arith.constant 0 : i32
    %dma_wait3A_77 = arith.constant 0 : i32
    %dma_wait3A_78 = tpu.memref_slice %arg4[%dma_wait3A_76, %mul3A_2, %dma_wait3A_77] : memref<26x4096x128xf32, #tpu.memory_space<hbm>> -> memref<1x128x128xf32, #tpu.memory_space<hbm>>
    %dma_wait3A_79 = tpu.memref_squeeze %dma_wait3A_78 : memref<1x128x128xf32, #tpu.memory_space<hbm>> -> memref<128x128xf32, #tpu.memory_space<hbm>>
    %dma_wait3A_80 = arith.constant 0 : i32
    %dma_wait3A_81 = tpu.memref_slice %arg4[%dma_wait3A_76, %mul3A_2, %dma_wait3A_80] : memref<26x4096x128xf32, #tpu.memory_space<hbm>> -> memref<1x128x128xf32, #tpu.memory_space<hbm>>
    %dma_wait3A_82 = tpu.memref_squeeze %dma_wait3A_81 : memref<1x128x128xf32, #tpu.memory_space<hbm>> -> memref<128x128xf32, #tpu.memory_space<hbm>>
    tpu.wait_dma2 semaphore(%arg19 : memref<!tpu.dma_semaphore, #tpu.memory_space<semaphore_mem>>) src(%arg7 : memref<128x128xf32, #tpu.memory_space<vmem>>) dst(%dma_wait3A_82 : memref<128x128xf32, #tpu.memory_space<hbm>>)
    %dma_wait3A_83 = arith.constant 0 : i32
    %dma_wait3A_84 = arith.constant 0 : i32
    %dma_wait3A_85 = tpu.memref_slice %arg4[%dma_wait3A_83, %mul3A_2, %dma_wait3A_84] : memref<26x4096x128xf32, #tpu.memory_space<hbm>> -> memref<1x128x128xf32, #tpu.memory_space<hbm>>
    %dma_wait3A_86 = tpu.memref_squeeze %dma_wait3A_85 : memref<1x128x128xf32, #tpu.memory_space<hbm>> -> memref<128x128xf32, #tpu.memory_space<hbm>>
    %dma_wait3A_87 = arith.constant 0 : i32
    %dma_wait3A_88 = tpu.memref_slice %arg4[%dma_wait3A_83, %mul3A_2, %dma_wait3A_87] : memref<26x4096x128xf32, #tpu.memory_space<hbm>> -> memref<1x128x128xf32, #tpu.memory_space<hbm>>
    %dma_wait3A_89 = tpu.memref_squeeze %dma_wait3A_88 : memref<1x128x128xf32, #tpu.memory_space<hbm>> -> memref<128x128xf32, #tpu.memory_space<hbm>>
    tpu.wait_dma2 semaphore(%arg20 : memref<!tpu.dma_semaphore, #tpu.memory_space<semaphore_mem>>) src(%arg8 : memref<128x128xf32, #tpu.memory_space<vmem>>) dst(%dma_wait3A_89 : memref<128x128xf32, #tpu.memory_space<hbm>>)
    %dma_wait3A_90 = arith.constant 0 : i32
    %dma_wait3A_91 = arith.constant 0 : i32
    %dma_wait3A_92 = tpu.memref_slice %arg4[%dma_wait3A_90, %mul3A_2, %dma_wait3A_91] : memref<26x4096x128xf32, #tpu.memory_space<hbm>> -> memref<1x128x128xf32, #tpu.memory_space<hbm>>
    %dma_wait3A_93 = tpu.memref_squeeze %dma_wait3A_92 : memref<1x128x128xf32, #tpu.memory_space<hbm>> -> memref<128x128xf32, #tpu.memory_space<hbm>>
    %dma_wait3A_94 = arith.constant 0 : i32
    %dma_wait3A_95 = tpu.memref_slice %arg4[%dma_wait3A_90, %mul3A_2, %dma_wait3A_94] : memref<26x4096x128xf32, #tpu.memory_space<hbm>> -> memref<1x128x128xf32, #tpu.memory_space<hbm>>
    %dma_wait3A_96 = tpu.memref_squeeze %dma_wait3A_95 : memref<1x128x128xf32, #tpu.memory_space<hbm>> -> memref<128x128xf32, #tpu.memory_space<hbm>>
    tpu.wait_dma2 semaphore(%arg21 : memref<!tpu.dma_semaphore, #tpu.memory_space<semaphore_mem>>) src(%arg9 : memref<128x128xf32, #tpu.memory_space<vmem>>) dst(%dma_wait3A_96 : memref<128x128xf32, #tpu.memory_space<hbm>>)
    %dma_wait3A_97 = arith.constant 0 : i32
    %dma_wait3A_98 = arith.constant 0 : i32
    %dma_wait3A_99 = tpu.memref_slice %arg4[%dma_wait3A_97, %mul3A_2, %dma_wait3A_98] : memref<26x4096x128xf32, #tpu.memory_space<hbm>> -> memref<1x128x128xf32, #tpu.memory_space<hbm>>
    %dma_wait3A_100 = tpu.memref_squeeze %dma_wait3A_99 : memref<1x128x128xf32, #tpu.memory_space<hbm>> -> memref<128x128xf32, #tpu.memory_space<hbm>>
    %dma_wait3A_101 = arith.constant 0 : i32
    %dma_wait3A_102 = tpu.memref_slice %arg4[%dma_wait3A_97, %mul3A_2, %dma_wait3A_101] : memref<26x4096x128xf32, #tpu.memory_space<hbm>> -> memref<1x128x128xf32, #tpu.memory_space<hbm>>
    %dma_wait3A_103 = tpu.memref_squeeze %dma_wait3A_102 : memref<1x128x128xf32, #tpu.memory_space<hbm>> -> memref<128x128xf32, #tpu.memory_space<hbm>>
    tpu.wait_dma2 semaphore(%arg22 : memref<!tpu.dma_semaphore, #tpu.memory_space<semaphore_mem>>) src(%arg10 : memref<128x128xf32, #tpu.memory_space<vmem>>) dst(%dma_wait3A_103 : memref<128x128xf32, #tpu.memory_space<hbm>>)
    %dma_wait3A_104 = arith.constant 0 : i32
    %dma_wait3A_105 = arith.constant 0 : i32
    %dma_wait3A_106 = tpu.memref_slice %arg4[%dma_wait3A_104, %mul3A_2, %dma_wait3A_105] : memref<26x4096x128xf32, #tpu.memory_space<hbm>> -> memref<1x128x128xf32, #tpu.memory_space<hbm>>
    %dma_wait3A_107 = tpu.memref_squeeze %dma_wait3A_106 : memref<1x128x128xf32, #tpu.memory_space<hbm>> -> memref<128x128xf32, #tpu.memory_space<hbm>>
    %dma_wait3A_108 = arith.constant 0 : i32
    %dma_wait3A_109 = tpu.memref_slice %arg4[%dma_wait3A_104, %mul3A_2, %dma_wait3A_108] : memref<26x4096x128xf32, #tpu.memory_space<hbm>> -> memref<1x128x128xf32, #tpu.memory_space<hbm>>
    %dma_wait3A_110 = tpu.memref_squeeze %dma_wait3A_109 : memref<1x128x128xf32, #tpu.memory_space<hbm>> -> memref<128x128xf32, #tpu.memory_space<hbm>>
    tpu.wait_dma2 semaphore(%arg23 : memref<!tpu.dma_semaphore, #tpu.memory_space<semaphore_mem>>) src(%arg11 : memref<128x128xf32, #tpu.memory_space<vmem>>) dst(%dma_wait3A_110 : memref<128x128xf32, #tpu.memory_space<hbm>>)
    return
  }
}

</mosaic_0001>

<sc_bundles>
// kernel: kernel.3.cloned.1.call-start
scs
__scs_entry_jumppad:
0x0: {  	(pc) =	sbr.rel $0x88, $3  }
0x1: {  	(tag) =	ssettag $0x0;
	lr =	simm.s32 $0x1  }
0x2: {  	[smem:$0x3F9F] =	sst lr;
	_ =	strace $0xD0000000  }
0x3: {  	_ = 	snop  }
0x4: {  	_ = 	snop  }
0x5: {  	_ = 	snop  }
0x6: {  	_ = 	snop  }
0x7: {  	_ = 	snop  }
__scs_overlays_trampoline_lowered:
0x8: {  	[smem:$0x3FAE] =	sst s0  }
0x9: {  	[smem:$0x3FAF] =	sst s1  }
0xa: {  	[smem:$0x3FB0] =	sst s2  }
0xb: {  	[smem:$0x3FB1] =	sst s3  }
0xc: {  	[smem:$0x3FB2] =	sst s4  }
0xd: {  	[smem:$0x3FB3] =	sst s5  }
0xe: {  	[smem:$0x3FB4] =	sst s6  }
0xf: {  	[smem:$0x3FB5] =	sst s7  }
0x10: {  	[smem:$0x3FB6] =	sst s8  }
0x11: {  	[smem:$0x3FB7] =	sst s9;
	s0 =	simm.s32 @!p0 $0x0  }
0x12: {  	s1 =	sld [smem:$0x3F9D];
	s0 =	simm.s32 @p0 $0x1  }
0x13: {  	[smem:$0x3FB8] =	sst s0;
	s0 =	simm.s32 @!p1 $0x0  }
0x14: {  	s2 =	sld [smem:$0x3F9C];
	s0 =	simm.s32 @p1 $0x1  }
0x15: {  	[smem:$0x3FB9] =	sst s0;
	s0 =	simm.s32 @!p2 $0x0  }
0x16: {  	s3 =	sld [smem:$0x3FDB];
	s0 =	simm.s32 @p2 $0x1  }
0x17: {  	s4 =	simm.s32 $0x1BF5;
	[smem:$0x3FBB] =	sst s0  }
0x18: {  	s0 =	sld [smem:$0x3F9E];
	_ =	swait.ge [sflag:s4], $0x0  }
0x19: {  	s7 =	sld [smem:$0x3F9F]  }
0x1a: {  	s8 =	sadd.s32 $0xFFFFE003, lr  }
0x1b: {  	s9 =	sadd.s32 $0xFFFFFEF7, lr;
	s5 =	simm.s32 $0xFFFFFFFF;
	p2 =	slt.u32 s8, $0xFFFFF086  }
0x1c: {  	p1 =	slt.u32 s9, $0xF7A;
	s5 =	simm.s32 @!p2 $0x0  }
0x1d: {  	s5 =	simm.s32 @p1 $0x1;
	p0 =	seq.s32 s7, s2  }
0x1e: {  	s7 =	smul.u32 @!p0 $0xF7A, s2;
	p2 =	seq.s32 @!p0 s5, $0x0  }
0x1f: {  	s9 =	smul.u32 $0xF7A, s1;
	s8 =	simm.s32 @!p0 $0x1BF5;
	p2 =	por !p2, p0  }
0x20: {  	[sflag:s8] =	ssyncset.s32 @!p0 $0xFFFFF086;
	s6 =	sadd.s32 @!p0 s3, s7;
	s7 =	simm.s32 @!p0 $0x108  }
0x21: {  	s3 =	sadd.s32 s3, s9;
	s6 =	sadd.s32 @!p0 $0x88, s6;
	s7 =	simm.s32 @p2 $0x1082  }
0x22: {  	[simem:s7], [sflag:s8] =	dma.local @!p0 [hbm:s6], $0xF7A  }
0x23: {  	s9 =	sor.u32 $0xD0000000, s2;
	s6 =	simm.s32 $0x108;
	_ =	swait.ge @!p0 [sflag:s8], $0x0  }
0x24: {  	s3 =	sadd.s32 $0x88, s3;
	s6 =	simm.s32 @!p1 $0x1082;
	[sflag:s4] =	ssyncset.s32 $0xFFFFF086  }
0x25: {  	[simem:s6], [sflag:s4] =	dma.local [hbm:s3], $0xF7A  }
0x26: {  	[smem:$0x3F9F] =	sst s1;
	(tag) =	ssettag s2;
	_ =	strace s9  }
0x27: {  	s1 =	sld [smem:$0x3FAF]  }
0x28: {  	s2 =	sld [smem:$0x3FB0]  }
0x29: {  	s4 =	sld [smem:$0x3FB2]  }
0x2a: {  	p0 =	seq.s32 s5, $0x0;
	s5 =	sld [smem:$0x3FB3]  }
0x2b: {  	s6 =	sld [smem:$0x3FB4]  }
0x2c: {  	s7 =	sld [smem:$0x3FB5]  }
0x2d: {  	s3 =	simm.s32 $0x108;
	s8 =	sld [smem:$0x3FB6]  }
0x2e: {  	s3 =	simm.s32 @!p0 $0x1082;
	s9 =	sld [smem:$0x3FB7]  }
0x2f: {  	lr =	sadd.s32 s0, s3;
	s0 =	sld [smem:$0x3FAE]  }
0x30: {  	s3 =	sld [smem:$0x3FB1]  }
0x31: {  	[smem:$0x3FBA] =	sst s10  }
0x32: {  	s10 =	sld [smem:$0x3FB8];
	_ =	sdelay $0x3  }
0x33: {  	p0 =	seq.s32 s10, $0x1;
	s10 =	sld [smem:$0x3FBA];
	_ =	sdelay $0x3  }
0x34: {  	[smem:$0x3FBA] =	sst s10  }
0x35: {  	s10 =	sld [smem:$0x3FB9];
	_ =	sdelay $0x3  }
0x36: {  	p1 =	seq.s32 s10, $0x1;
	s10 =	sld [smem:$0x3FBA];
	_ =	sdelay $0x3  }
0x37: {  	[smem:$0x3FBA] =	sst s10  }
0x38: {  	s10 =	sld [smem:$0x3FBB]  }
0x39: {  	_ = 	snop;
	(pc) =	sbr.ind lr, $3  }
0x3a: {  	_ = 	snop  }
0x3b: {  	_ = 	snop  }
0x3c: {  	p2 =	seq.s32 s10, $0x1;
	s10 =	sld [smem:$0x3FBA]  }
0x3d: {  	_ =	shalt  }
0x3e: {  	_ =	shalt  }
0x3f: {  	_ =	shalt  }
0x40: {  	_ =	shalt  }
0x41: {  	_ =	shalt  }
0x42: {  	_ =	shalt  }
0x43: {  	_ =	shalt  }
0x44: {  	_ =	shalt  }
0x45: {  	_ =	shalt  }
0x46: {  	_ =	shalt  }
0x47: {  	_ =	shalt  }
0x48: {  	_ =	shalt  }
0x49: {  	_ =	shalt  }
0x4a: {  	_ =	shalt  }
0x4b: {  	_ =	shalt  }
0x4c: {  	_ =	shalt  }
0x4d: {  	_ =	shalt  }
0x4e: {  	_ =	shalt  }
0x4f: {  	_ =	shalt  }
0x50: {  	_ =	shalt  }
0x51: {  	_ =	shalt  }
0x52: {  	_ =	shalt  }
0x53: {  	_ =	shalt  }
0x54: {  	_ =	shalt  }
0x55: {  	_ =	shalt  }
0x56: {  	_ =	shalt  }
0x57: {  	_ =	shalt  }
0x58: {  	_ =	shalt  }
0x59: {  	_ =	shalt  }
0x5a: {  	_ =	shalt  }
0x5b: {  	_ =	shalt  }
0x5c: {  	_ =	shalt  }
0x5d: {  	_ =	shalt  }
0x5e: {  	_ =	shalt  }
0x5f: {  	_ =	shalt  }
0x60: {  	_ =	shalt  }
0x61: {  	_ =	shalt  }
0x62: {  	_ =	shalt  }
0x63: {  	_ =	shalt  }
0x64: {  	_ =	shalt  }
0x65: {  	_ =	shalt  }
0x66: {  	_ =	shalt  }
0x67: {  	_ =	shalt  }
0x68: {  	_ =	shalt  }
0x69: {  	_ =	shalt  }
0x6a: {  	_ =	shalt  }
0x6b: {  	_ =	shalt  }
0x6c: {  	_ =	shalt  }
0x6d: {  	_ =	shalt  }
0x6e: {  	_ =	shalt  }
0x6f: {  	_ =	shalt  }
0x70: {  	_ =	shalt  }
0x71: {  	_ =	shalt  }
0x72: {  	_ =	shalt  }
0x73: {  	_ =	shalt  }
0x74: {  	_ =	shalt  }
0x75: {  	_ =	shalt  }
0x76: {  	_ =	shalt  }
0x77: {  	_ =	shalt  }
0x78: {  	_ =	shalt  }
0x79: {  	_ =	shalt  }
0x7a: {  	_ =	shalt  }
0x7b: {  	_ =	shalt  }
0x7c: {  	_ =	shalt  }
0x7d: {  	_ =	shalt  }
0x7e: {  	_ =	shalt  }
0x7f: {  	_ =	shalt  }
0x80: {  	_ =	shalt  }
0x81: {  	_ =	shalt  }
0x82: {  	_ =	shalt  }
0x83: {  	_ =	shalt  }
0x84: {  	_ =	shalt  }
0x85: {  	_ =	shalt  }
0x86: {  	_ =	shalt  }
0x87: {  	_ =	shalt  }
.Lfunc_end0:
.L_simem_size_0:
called_computation_lowered:
.L_overlay_start_0:
0x88: {  	s2 =	sld [smem:$0x3FD9]  }
0x89: {  	s3 =	sld [smem:$0x3FFE];
	_ =	sdelay $0x1  }
0x8a: {  	s1 =	srdreg.scid  }
0x8b: {  	s0 =	sand.u32 $0x1, s1  }
0x8c: {  	s18 =	sshll.u32 s0, $0xA;
	s2 =	sadd.s32 s3, s2  }
0x8d: {  	s2 =	sadd.s32 s2, s18  }
0x8e: {  	[smem:$0x3FC6] =	sst s2  }
0x8f: {  	_ = 	snop  }
0x90: {  	s2 =	sld [smem:$0x3FC9]  }
0x91: {  	s19 =	sld [smem:$0x3FC8]  }
0x92: {  	s4 =	sld [smem:$0x3FD0];
	(tm) =	ssettm $0x1  }
0x93: {  	s5 =	sld [smem:$0x3FFB];
	_ =	sdelay $0x3  }
0x94: {  	_ =	strace s5  }
0x95: {  	s5 =	sld [smem:$0x3FFC];
	_ =	sdelay $0x3  }
0x96: {  	_ =	strace s5  }
0x97: {  	s5 =	sld [smem:$0x3FFD];
	_ =	sdelay $0x3  }
0x98: {  	_ =	strace s5  }
0x99: {  	_ =	strace $0x8FFFFFFF  }
0x9a: {  	s20 =	sld [smem:$0x3FDB];
	_ =	sdelay $0x1  }
0x9b: {  	s6 =	simm.s32 $_scs_section_size  }
0x9c: {  	s7 =	simm.s32 $_size__tile_overlayer_lowered;
	s8 =	simm.s32 $_tile_overlayer_lowered  }
0x9d: {  	s23 =	simm.s32 $0x1BFF;
	s22 =	sshll.u32 s8, $0x1;
	s5 =	sadd.s32 s6, s20  }
0x9e: {  	s9 =	simm.s32 $0x0;
	s21 =	sshll.u32 s7, $0x1;
	s7 =	sadd.s32 s22, s5  }
0x9f: {  	[timem:s9], [sflag:s23] =	dma.local [hbm:s7], s21  }
0xa0: {  	_ =	swait.ge [sflag:s23], s21  }
0xa1: {  	s6 =	ssub.s32 $0x0, s21;
	[sflag:s23] =	ssyncset.done $0x0  }
0xa2: {  	[sflag:s23] =	ssyncadd.s32 s6;
	_ =	sdelay $0x1  }
0xa3: {  	s24 =	simm.s32 $0x1B8B  }
0xa4: {  	_ =	swait.ge [sflag:s24], $0x1  }
0xa5: {  	[sflag:s24] =	ssyncset.done $0x0  }
0xa6: {  	s25 =	simm.s32 $0x1B8E;
	[sflag:s24] =	ssyncadd.s32 $0xFFFFFFFF  }
0xa7: {  	s26 =	simm.s32 $execute0_lowered;
	[smem:$0x3FD2] =	sst s25  }
0xa8: {  	s6 =	sshll.u32 s26, $0x1;
	_ =	strace $0x80000046;
	[dreg:$0x1] =	wrdreg $0xFFFFFFFF  }
0xa9: {  	s28 =	simm.s32 $_size_execute0_lowered;
	s5 =	sadd.s32 s5, s6;
	[dreg:$0x0] =	wrdreg $0x0  }
0xaa: {  	s6 =	sshll.u32 s28, $0x1;
	[dreg:$0x2] =	wrdreg s5  }
0xab: {  	[dreg:$0x3] =	wrdreg s6  }
0xac: {  	[dreg:$0x4] =	wrdreg $0xC0  }
0xad: {  	_ =	task [dreg:s9], $0x5FFFF  }
0xae: {  	[dreg:$0x1] =	wrdreg $0xFFFFFFFF  }
0xaf: {  	[dreg:$0x0] =	wrdreg $0x60  }
0xb0: {  	[dreg:$0x2] =	wrdreg s2  }
0xb1: {  	[dreg:$0x3] =	wrdreg s19  }
0xb2: {  	[dreg:$0x4] =	wrdreg s4  }
0xb3: {  	[dreg:$0x5] =	wrdreg $0x9  }
0xb4: {  	_ =	task.clear_ibuf [dreg:s9], $0x6FFFF;
	_ =	strace $0x90000046  }
0xb5: {  	s29 =	simm.s32 $0x9;
	_ =	strace $0x80000048  }
0xb6: {  	_ =	swait.ge [sflag:s29], $0x1  }
0xb7: {  	[sflag:s29] =	ssyncadd.s32 $0xFFFFFFFF  }
0xb8: {  	_ =	strace $0x90000048  }
0xb9: {  	_ =	sfence  }
0xba: {  	s30 =	sld [smem:$0x0];
	_ =	sdelay $0x2  }
0xbb: {  	s31 =	sshll.u32 s1, $0xD;
	s1 =	sshrl.u32 s1, $0x2  }
0xbc: {  	s3 =	sand.u32 $0x4000, s31;
	s1 =	sadd.s32 s1, s30  }
0xbd: {  	s0 =	sor.u32 s3, s0;
	s1 =	sshll.u32 s1, $0x11  }
0xbe: {  	s0 =	sor.u32 s1, s0  }
0xbf: {  	s0 =	sadd.s32 $0x8F2B, s0  }
0xc0: {  	[sflag:s0] =	ssyncadd.remote.s32 $0x1  }
0xc1: {  	_ =	sfence.sel $0xFFFF  }
0xc2: {  	[dreg:$0x0] =	wrdreg $0xFFFFFFFF;
	(pc) =	sbr.abs _section_cstart, $3  }
0xc3: {  	[dreg:$0x1] =	wrdreg $0xFFFFFFFF  }
0xc4: {  	_ =	task.clear_ibuf [dreg:s9], $0x2FFFF;
	_ =	strace $0x9FFFFFFF  }
0xc5: {  	(tm) =	ssettm $0x7FFFFFFF  }
tec
execute0_lowered:
.L_overlay_start_1:
0x0: {  	(tag) =	ssettag $0x1  }
0x1: {  	s0 =	rddreg [dreg:$0x0]  }
0x2: {  	s1 =	rddreg [dreg:$0x1]  }
0x3: {  	s2 =	rddreg [dreg:$0x2];
	s4 =	srdreg.scid;
	s3 =	simm.s32 $0x0  }
0x4: {  	s9 =	stileid.u32;
	s29 =	simm.s32 $0x1;
	s30 =	simm.s32 $0x15000  }
0x5: {  	s31 =	simm.s32 $0x2;
	s28 =	simm.s32 $0xB;
	s4 =	sand.u32 $0x1, s4  }
0x6: {  	[smem:$0x7FF] =	sst s3;
	s7 =	sshll.u32 s9, $0x8;
	s14 =	sshll.u32 s9, $0xF  }
0x7: {  	s5 =	ssub.s32 $0x2, s4;
	s8 =	sshll.u32 s4, $0x7;
	_ =	strace $0x80000047  }
0x8: {  	s4 =	sshll.u32 s4, $0xE;
	s6 =	sshrl.u32 s5, $0x1;
	s13 =	sor.u32 s8, s7  }
0x9: {  	s4 =	sor.u32 s4, s14;
	s6 =	ssub.s32 s5, s6;
	s7 =	sshll.u32 s13, $0x4  }
0xa: {  	s5 =	sadd.s32 s0, s13;
	s17 =	sor.u32 $0x280000, s4;
	s21 =	sor.u32 $0x200000, s4  }
0xb: {  	s22 =	sor.u32 $0x180000, s4;
	s23 =	sor.u32 $0x100000, s4;
	s26 =	sshrl.u32 s4, $0x3  }
0xc: {  	s15 =	sadd.s32 s7, s2;
	[dreg:$0x4] =	wrdreg s5;
	s5 =	sadd.s32 $0x1000, s5  }
0xd: {  	s19 =	smax.u32 s6, $0x1;
	s20 =	sshrl.u32 s17, $0x3;
	s0 =	sshrl.u32 s21, $0x3  }
0xe: {  	s24 =	sshrl.u32 s22, $0x3;
	s25 =	sshrl.u32 s23, $0x3;
	s14 =	sadd.s32 s26, s2  }
0xf: {  	s17 =	simm.s32 $0x1000;
	s22 =	simm.s32 $0xD000;
	s21 =	simm.s32 $0x4  }
0x10: {  	s23 =	simm.s32 $0x6;
	s7 =	simm.s32 $0x0;
	[dreg:$0x5] =	wrdreg s5  }
0x11: {  	s16 =	sadd.s32 $0x180000, s15;
	s18 =	sadd.s32 $0x190000, s15;
	[dreg:$0x8] =	wrdreg s19  }
.Ltmp0:
0x12: {  	s9 =	sadd.s32 $0x160000, s15;
	s10 =	sadd.s32 s20, s2;
	(pc) =	sbr.rel .LBB2_1-.Ltmp0, $4  }
0x13: {  	s11 =	sadd.s32 s0, s2;
	s12 =	sadd.s32 s24, s2;
	s13 =	sadd.s32 s25, s2  }
0x14: {  	s20 =	simm.s32 $0x9000;
	s24 =	simm.s32 $0x11000;
	s0 =	simm.s32 $0x7  }
0x15: {  	s2 =	simm.s32 $0x3;
	s19 =	simm.s32 $0x8;
	[dreg:$0x6] =	wrdreg s16  }
0x16: {  	[dreg:$0x7] =	wrdreg s18;
	s16 =	simm.s32 $0x80;
	s18 =	simm.s32 $0x5000  }
.LBB2_4:
0x17: {  	_ =	swait.ge [sflag:s29], $0x4000  }
0x18: {  	[sflag:s29] =	ssyncset.done $0x0  }
0x19: {  	s4 =	rddreg [dreg:$0x6];
	[sflag:s29] =	ssyncadd.s32 $0xFFFFC000  }
0x1a: {  	[hbm4b:s4+s3] =	stream.linear.scatter [tilespmem:s17], [sflag:$0x7], $0x4000, $0x38;
	[tilespmem:$0x19000] =	vst v63  }
0x1b: {  	_ =	swait.ge [sflag:s31], $0x4000  }
0x1c: {  	[sflag:s31] =	ssyncset.done $0x0  }
0x1d: {  	s8 =	rddreg [dreg:$0x7];
	[sflag:s31] =	ssyncadd.s32 $0xFFFFC000  }
0x1e: {  	[hbm4b:s8+s3] =	stream.linear.scatter [tilespmem:s18], [sflag:$0x8], $0x4000, $0x38;
	[tilespmem:$0x19000] =	vst v63  }
0x1f: {  	_ =	swait.ge [sflag:s0], $0x4000  }
0x20: {  	[sflag:s0] =	ssyncset.done $0x0  }
0x21: {  	[sflag:s0] =	ssyncadd.s32 $0xFFFFC000  }
0x22: {  	_ =	swait.ge [sflag:s19], $0x4000  }
0x23: {  	[sflag:s19] =	ssyncset.done $0x0  }
0x24: {  	s15 =	simm.s32 $0x9;
	[sflag:s19] =	ssyncadd.s32 $0xFFFFC000  }
0x25: {  	_ =	swait.ge [sflag:s15], $0x4000  }
0x26: {  	[sflag:s15] =	ssyncset.done $0x0  }
0x27: {  	s25 =	simm.s32 $0xA;
	[sflag:s15] =	ssyncadd.s32 $0xFFFFC000  }
0x28: {  	_ =	swait.ge [sflag:s25], $0x4000  }
0x29: {  	[sflag:s25] =	ssyncset.done $0x0  }
0x2a: {  	[sflag:s25] =	ssyncadd.s32 $0xFFFFC000  }
0x2b: {  	_ =	swait.ge [sflag:s28], $0x4000  }
0x2c: {  	[sflag:s28] =	ssyncset.done $0x0  }
0x2d: {  	s5 =	simm.s32 $0xC;
	[sflag:s28] =	ssyncadd.s32 $0xFFFFC000  }
0x2e: {  	_ =	swait.ge [sflag:s5], $0x4000  }
0x2f: {  	s7 =	sadd.s32 $0x1, s7;
	s26 =	rddreg [dreg:$0x8]  }
0x30: {  	p0 =	sne.s32 s7, s26  }
.Ltmp1:
0x31: {  	_ = 	snop;
	(pc) =	sbr.rel @!p0 .LBB2_5-.Ltmp1, $3  }
0x32: {  	_ =	sdelay $0x1  }
0x33: {  	[sflag:s5] =	ssyncset.done $0x0  }
0x34: {  	[sflag:s5] =	ssyncadd.s32 $0xFFFFC000  }
.LBB2_1:
0x35: {  	s4 =	rddreg [dreg:$0x4];
	s5 =	simm.s32 $0xD  }
0x36: {  	[tilespmem:s3], [sflag:$0xD] =	stream.linear.gather [hbm4b:s4+s3], $0x400, $0x38;
	[tilespmem:$0x19000] =	vst v63  }
0x37: {  	_ =	swait.ge [sflag:s5], $0x400  }
0x38: {  	[sflag:s5] =	ssyncset.done $0x0  }
0x39: {  	[sflag:s5] =	ssyncadd.s32 $0xFFFFFC00  }
0x3a: {  	[tilespmem:s17], [sflag:$0x1] =	stream.indirect.gather [hbm4b:s1+s16], $0x80, s3, s16, $0xb8;
	[tilespmem:$0x19000] =	vst v63  }
0x3b: {  	_ = 	snop  }
0x3c: {  	[tilespmem:s18], [sflag:$0x2] =	stream.indirect.gather [hbm4b:s1+s16], $0x80, s16, s16, $0xb8;
	[tilespmem:$0x19000] =	vst v63  }
0x3d: {  	s6 =	simm.s32 $0x100  }
0x3e: {  	[tilespmem:s20], [sflag:$0x3] =	stream.indirect.gather [hbm4b:s1+s16], $0x80, s6, s16, $0xb8;
	[tilespmem:$0x19000] =	vst v63  }
0x3f: {  	s8 =	simm.s32 $0x180  }
0x40: {  	[tilespmem:s22], [sflag:$0x4] =	stream.indirect.gather [hbm4b:s1+s16], $0x80, s8, s16, $0xb8;
	[tilespmem:$0x19000] =	vst v63  }
0x41: {  	s15 =	simm.s32 $0x200  }
0x42: {  	[tilespmem:s24], [sflag:$0x5] =	stream.indirect.gather [hbm4b:s1+s16], $0x80, s15, s16, $0xb8;
	[tilespmem:$0x19000] =	vst v63  }
0x43: {  	s25 =	rddreg [dreg:$0x5];
	s6 =	simm.s32 $0x8000;
	s8 =	simm.s32 $0x400  }
0x44: {  	[tilespmem:s8], [sflag:$0xD] =	stream.strided.gather [hbm4b:s25+s8], $0x800, s6, s8, $0x38;
	[tilespmem:$0x19000] =	vst v63  }
0x45: {  	s26 =	simm.s32 $0xC00;
	s4 =	sadd.s32 $0x2000, s25  }
0x46: {  	[tilespmem:s26], [sflag:$0xD] =	stream.linear.gather [hbm4b:s4+s3], $0x100, $0x38;
	[tilespmem:$0x19000] =	vst v63  }
0x47: {  	_ =	swait.ge [sflag:s5], $0x900  }
0x48: {  	[sflag:s5] =	ssyncset.done $0x0  }
0x49: {  	s8 =	simm.s32 $0x0;
	s4 =	simm.s32 $0x0;
	[sflag:s5] =	ssyncadd.s32 $0xFFFFF700  }
.LBB2_2:
0x4a: {  	_ =	swait.ge [sflag:s29], $0x4000  }
0x4b: {  	p0 =	seq.s32 s4, $0x0;
	[sflag:s29] =	ssyncset.done $0x0  }
0x4c: {  	s25 =	sadd.s32 s4, s14;
	s26 =	simm.s32 @!p0 $0xC;
	[sflag:s29] =	ssyncadd.s32 $0xFFFFC000  }
0x4d: {  	[hbm4b:s25+s3] =	stream.linear.scatter [tilespmem:s17], [sflag:$0x7], $0x4000, $0x38;
	[tilespmem:$0x19000] =	vst v63  }
0x4e: {  	s6 =	sshra.s32 @!p0 s8, $0x2;
	_ =	swait.ge @!p0 [sflag:s26], $0x4000  }
0x4f: {  	s6 =	simm.s32 @p0 $0x0;
	[sflag:s26] =	ssyncset.done @!p0 $0x0  }
0x50: {  	s6 =	sadd.s32 $0x280, s6;
	[sflag:s26] =	ssyncadd.s32 @!p0 $0xFFFFC000  }
0x51: {  	[tilespmem:s30], [sflag:$0x6] =	stream.indirect.gather [hbm4b:s1+s16], $0x80, s6, s16, $0xb8;
	[tilespmem:$0x19000] =	vst v63  }
0x52: {  	_ =	swait.ge [sflag:s31], $0x4000  }
0x53: {  	[sflag:s31] =	ssyncset.done $0x0  }
0x54: {  	s5 =	sadd.s32 $0x10000, s25;
	s25 =	smov.u32 s8;
	[sflag:s31] =	ssyncadd.s32 $0xFFFFC000  }
0x55: {  	[hbm4b:s5+s3] =	stream.linear.scatter [tilespmem:s18], [sflag:$0x8], $0x4000, $0x38;
	[tilespmem:$0x19000] =	vst v63  }
0x56: {  	s25 =	simm.s32 @p0 $0x0;
	_ =	swait.ge [sflag:s0], $0x4000  }
0x57: {  	s25 =	sshra.s32 s25, $0x2;
	[sflag:s0] =	ssyncset.done $0x0  }
0x58: {  	s15 =	sadd.s32 $0x300, s25;
	[sflag:s0] =	ssyncadd.s32 $0xFFFFC000  }
0x59: {  	[tilespmem:s17], [sflag:$0x1] =	stream.indirect.gather [hbm4b:s1+s16], $0x80, s15, s16, $0xb8;
	[tilespmem:$0x19000] =	vst v63  }
0x5a: {  	_ =	swait.ge [sflag:s2], $0x4000  }
0x5b: {  	[sflag:s2] =	ssyncset.done $0x0  }
0x5c: {  	s26 =	sadd.s32 s4, s13;
	[sflag:s2] =	ssyncadd.s32 $0xFFFFC000  }
0x5d: {  	[hbm4b:s26+s3] =	stream.linear.scatter [tilespmem:s20], [sflag:$0x9], $0x4000, $0x38;
	[tilespmem:$0x19000] =	vst v63  }
0x5e: {  	_ =	swait.ge [sflag:s19], $0x4000  }
0x5f: {  	[sflag:s19] =	ssyncset.done $0x0  }
0x60: {  	s5 =	sadd.s32 $0x380, s25;
	[sflag:s19] =	ssyncadd.s32 $0xFFFFC000  }
0x61: {  	[tilespmem:s18], [sflag:$0x2] =	stream.indirect.gather [hbm4b:s1+s16], $0x80, s5, s16, $0xb8;
	[tilespmem:$0x19000] =	vst v63  }
0x62: {  	_ =	swait.ge [sflag:s21], $0x4000  }
0x63: {  	p0 =	seq.s32 s4, $0x120000;
	[sflag:s21] =	ssyncset.done $0x0  }
0x64: {  	s6 =	simm.s32 @p0 $0x5;
	s15 =	sadd.s32 s4, s12;
	[sflag:s21] =	ssyncadd.s32 $0xFFFFC000  }
0x65: {  	[hbm4b:s15+s3] =	stream.linear.scatter [tilespmem:s22], [sflag:$0xA], $0x4000, $0x38;
	[tilespmem:$0x19000] =	vst v63  }
0x66: {  	_ =	swait.ge @p0 [sflag:s6], $0x4000  }
0x67: {  	[sflag:s6] =	ssyncset.done @p0 $0x0  }
0x68: {  	s26 =	simm.s32 @p0 $0x11000;
	[sflag:s6] =	ssyncadd.s32 @p0 $0xFFFFC000;
	s6 =	simm.s32 @p0 $0x0  }
0x69: {  	[hbm4b:s9+s6] =	stream.linear.scatter @p0 [tilespmem:s26], [sflag:$0xB], $0x4000, $0x38;
	[tilespmem:$0x19000] =	vst v63  }
0x6a: {  	s6 =	simm.s32 @!p0 $0x9  }
0x6b: {  	_ =	swait.ge @!p0 [sflag:s6], $0x4000  }
0x6c: {  	s5 =	simm.s32 @!p0 $0x9000;
	[sflag:s6] =	ssyncset.done @!p0 $0x0  }
0x6d: {  	s26 =	simm.s32 @!p0 $0x80;
	[sflag:s6] =	ssyncadd.s32 @!p0 $0xFFFFC000;
	s6 =	sadd.s32 @!p0 $0x400, s25  }
0x6e: {  	[tilespmem:s5], [sflag:$0x3] =	stream.indirect.gather @!p0 [hbm4b:s1+s26], $0x80, s6, s26, $0xb8;
	[tilespmem:$0x19000] =	vst v63  }
0x6f: {  	s5 =	simm.s32 @!p0 $0x5  }
0x70: {  	_ =	swait.ge @!p0 [sflag:s5], $0x4000  }
0x71: {  	s15 =	simm.s32 @!p0 $0x11000;
	[sflag:s5] =	ssyncset.done @!p0 $0x0  }
0x72: {  	s6 =	simm.s32 @!p0 $0x0;
	[sflag:s5] =	ssyncadd.s32 @!p0 $0xFFFFC000;
	s5 =	sadd.s32 @!p0 s4, s11  }
0x73: {  	[hbm4b:s5+s6] =	stream.linear.scatter @!p0 [tilespmem:s15], [sflag:$0xB], $0x4000, $0x38;
	[tilespmem:$0x19000] =	vst v63  }
0x74: {  	s5 =	simm.s32 @!p0 $0xA  }
0x75: {  	_ =	swait.ge @!p0 [sflag:s5], $0x4000  }
0x76: {  	[sflag:s5] =	ssyncset.done @!p0 $0x0  }
0x77: {  	s6 =	simm.s32 @!p0 $0xD000;
	[sflag:s5] =	ssyncadd.s32 @!p0 $0xFFFFC000;
	s5 =	sadd.s32 @!p0 $0x480, s25  }
0x78: {  	[tilespmem:s6], [sflag:$0x4] =	stream.indirect.gather @!p0 [hbm4b:s1+s26], $0x80, s5, s26, $0xb8;
	[tilespmem:$0x19000] =	vst v63  }
.Ltmp2:
0x79: {  	_ = 	snop;
	(pc) =	sbr.rel @p0 .LBB2_4-.Ltmp2, $4  }
0x7a: {  	_ =	swait.ge [sflag:s23], $0x4000  }
0x7b: {  	[sflag:s23] =	ssyncset.done $0x0  }
0x7c: {  	s26 =	sadd.s32 s4, s10;
	[sflag:s23] =	ssyncadd.s32 $0xFFFFC000  }
0x7d: {  	[hbm4b:s26+s3] =	stream.linear.scatter [tilespmem:s30], [sflag:$0xC], $0x4000, $0x38;
	[tilespmem:$0x19000] =	vst v63  }
.Ltmp3:
0x7e: {  	(pc) =	sbr.rel .LBB2_2-.Ltmp3, $4  }
0x7f: {  	_ =	swait.ge [sflag:s28], $0x4000  }
0x80: {  	s5 =	sadd.s32 $0x500, s25;
	[sflag:s28] =	ssyncset.done $0x0  }
0x81: {  	s8 =	sadd.s32 $0xC00, s8;
	s4 =	sadd.s32 $0x60000, s4;
	[sflag:s28] =	ssyncadd.s32 $0xFFFFC000  }
0x82: {  	[tilespmem:s24], [sflag:$0x5] =	stream.indirect.gather [hbm4b:s1+s16], $0x80, s5, s16, $0xb8;
	[tilespmem:$0x19000] =	vst v63  }
.LBB2_5:
0x83: {  	_ =	sfence.sel $0x180000  }
0x84: {  	[bflag:$0x0] =	sbarrier.arrive $0xFFFF  }
0x85: {  	_ =	strace $0x90000047  }
0x86: {  	s0 =	stileid.u32;
	[bflag:$0x2] =	sbarrier.arrive $0xFFFF  }
0x87: {  	p0 =	sne.s32 s0, $0x0;
	s0 =	rddreg [dreg:$0x3]  }
0x88: {  	s0 =	sadd.s32 @!p0 $0x100000, s0  }
0x89: {  	[sflag:s0] =	ssyncadd.tile.s32 @!p0 $0x1;
	_ =	shalt  }
.Lfunc_end2:
_tile_overlayer_lowered:
.L_overlay_start_2:
0x8a: {  	(tag) =	ssettag $0x2  }
0x8b: {  	s0 =	rddreg [dreg:$0x0];
	s2 =	stileid.u32  }
0x8c: {  	s1 =	rddreg [dreg:$0x1];
	p0 =	sne.s32 s2, $0x0  }
0x8d: {  	s3 =	rddreg [dreg:$0x2];
	[bflag:$0x3] =	sbarrier.arrive $0xFFFF;
	s2 =	simm.s32 @!p0 $0x1C0D  }
0x8e: {  	[timem:s3], [sflag:s2] =	dma.local @!p0 [hbm:s0], s1  }
0x8f: {  	s0 =	simm.s32 @!p0 $0xD  }
0x90: {  	_ =	swait.ge @!p0 [sflag:s0], s1  }
0x91: {  	s1 =	ssub.s32 @!p0 $0x0, s1;
	[sflag:s0] =	ssyncset.done @!p0 $0x0  }
0x92: {  	[sflag:s0] =	ssyncadd.s32 @!p0 s1  }
0x93: {  	[bflag:$0x3] =	sbarrier.arrive $0xFFFF  }
0x94: {  	_ =	shalt  }

</sc_bundles>
